<compile_context>
chip_gen: v7x
topology: tpu7x:2x2x1
jax: 0.10.2.dev20260603
libtpu: 0.0.44.dev20260713+nightly
codegen_flags: <defaults>
</compile_context>

<pallas_src>
import functools

import jax
import jax.numpy as jnp
from jax import lax
from jax.experimental import pallas as pl
from jax.experimental.pallas import tpu as pltpu
from jax.experimental.pallas import tpu_sc as plsc

BS = 2048
D = 256
TK = 2048
NC, NS, L = 2, 16, 16
NW = NC * NS
BPW = BS // NW


def _nn_body(n_valid, n_steps, q2_ref, qn_ref, yn_ref, colf_ref, y_ref,
             best_ref, bidx_ref):
    j = pl.program_id(0)
    y = y_ref[...]
    if n_valid % TK != 0:
        row = lax.broadcasted_iota(jnp.int32, (TK, 1), 0) + j * TK
        y = jnp.where(row < n_valid, y, 0.0)
    yn = yn_ref[0]
    qy2 = lax.dot_general(q2_ref[...], y, (((1,), (1,)), ((), ())),
                          preferred_element_type=jnp.float32)
    s = (qn_ref[...] + yn) + qy2
    colf = colf_ref[0]
    m = jnp.min(s, axis=1, keepdims=True)
    hit = s == m
    af = jnp.min(jnp.where(hit, colf, jnp.float32(3e38)), axis=1,
                 keepdims=True)
    a = af.astype(jnp.int32) + j * TK
    prev_m = jnp.where(j == 0, jnp.inf, best_ref[...])
    prev_a = jnp.where(j == 0, 0, bidx_ref[...])
    better = m < prev_m
    best_ref[...] = jnp.where(better, m, prev_m)
    bidx_ref[...] = jnp.where(better, a, prev_a)


def _nn_argmin(q2, qn, keys, yn_pad, n_valid, interpret=False):
    n_steps = yn_pad.shape[0] // TK
    yn3 = yn_pad.reshape(n_steps, 1, TK)
    colf = jnp.arange(TK, dtype=jnp.float32).reshape(1, 1, TK)
    best, bidx = pl.pallas_call(
        functools.partial(_nn_body, n_valid, n_steps),
        grid=(n_steps,),
        in_specs=[
            pl.BlockSpec((BS, D), lambda j: (0, 0)),
            pl.BlockSpec((BS, 1), lambda j: (0, 0)),
            pl.BlockSpec((1, 1, TK), lambda j: (j, 0, 0)),
            pl.BlockSpec((1, 1, TK), lambda j: (0, 0, 0)),
            pl.BlockSpec((TK, D), lambda j: (j, 0)),
        ],
        out_specs=[
            pl.BlockSpec((BS, 1), lambda j: (0, 0)),
            pl.BlockSpec((BS, 1), lambda j: (0, 0)),
        ],
        out_shape=[
            jax.ShapeDtypeStruct((BS, 1), jnp.float32),
            jax.ShapeDtypeStruct((BS, 1), jnp.int32),
        ],
        interpret=interpret,
    )(q2, qn, yn3, colf, keys)
    return best.reshape(BS), bidx.reshape(BS)


def _sc_finish(table, idx_prev, idx_new, d_prev, d_new):
    mesh = plsc.VectorSubcoreMesh(core_axis_name="c", subcore_axis_name="s",
                                  num_cores=NC, num_subcores=NS)

    @functools.partial(
        pl.kernel,
        out_type=[
            jax.ShapeDtypeStruct((BS,), jnp.float32),
            jax.ShapeDtypeStruct((BS, D), jnp.float32),
        ],
        mesh=mesh,
        scratch_types=[
            pltpu.VMEM((BPW,), jnp.int32),
            pltpu.VMEM((BPW,), jnp.int32),
            pltpu.VMEM((BPW, D), jnp.float32),
            pltpu.VMEM((BPW, D), jnp.float32),
            pltpu.VMEM((BPW, D), jnp.float32),
            pltpu.VMEM((BPW,), jnp.float32),
            pltpu.VMEM((BPW,), jnp.float32),
            pltpu.VMEM((BPW,), jnp.float32),
            pltpu.SemaphoreType.DMA,
            pltpu.SemaphoreType.DMA,
        ],
    )
    def k(tab_hbm, ip_hbm, in_hbm, dp_hbm, dn_hbm,
          vals_hbm, grads_hbm,
          ip_v, in_v, p_v, n_v, g_v, dp_v, dn_v, v_v, sem1, sem2):
        wid = lax.axis_index("s") * NC + lax.axis_index("c")
        base = wid * BPW
        pltpu.sync_copy(ip_hbm.at[pl.ds(base, BPW)], ip_v)
        pltpu.sync_copy(in_hbm.at[pl.ds(base, BPW)], in_v)
        cp1 = pltpu.async_copy(tab_hbm.at[ip_v], p_v, sem1)
        cp2 = pltpu.async_copy(tab_hbm.at[in_v], n_v, sem2)
        pltpu.sync_copy(dp_hbm.at[pl.ds(base, BPW)], dp_v)
        pltpu.sync_copy(dn_hbm.at[pl.ds(base, BPW)], dn_v)
        for c in range(BPW // L):
            sl = pl.ds(c * L, L)
            v_v[sl] = dp_v[sl] - dn_v[sl]
        pltpu.sync_copy(v_v, vals_hbm.at[pl.ds(base, BPW)])
        cp1.wait()
        cp2.wait()

        def row(r, carry):
            for c in range(D // L):
                sl = pl.ds(c * L, L)
                g_v[r, sl] = (n_v[r, sl] - p_v[r, sl]) * 2.0
            return carry

        lax.fori_loop(0, BPW, row, 0)
        pltpu.sync_copy(g_v, grads_hbm.at[pl.ds(base, BPW)])

    return k(table, idx_prev, idx_new, d_prev, d_new)


def kernel(target_goal_embedding_library, reached_goal_embedding_library,
           batch_size):
    N = target_goal_embedding_library.shape[0]
    start = N - batch_size
    q = lax.dynamic_slice_in_dim(target_goal_embedding_library, start, BS)
    reached = lax.dynamic_slice_in_dim(reached_goal_embedding_library, start, BS)
    n_prev = N - BS

    qn = jnp.sum(q * q, axis=1, keepdims=True)
    q2 = -2.0 * q

    n_pad = -(-n_prev // TK) * TK
    yk = reached_goal_embedding_library[:n_pad]
    yn_prev = jnp.sum(yk * yk, axis=1)
    yn_prev = jnp.where(jnp.arange(n_pad) < n_prev, yn_prev, jnp.inf)
    yn_new = jnp.sum(reached * reached, axis=1)

    d_prev, idx_prev = _nn_argmin(q2, qn, reached_goal_embedding_library,
                                  yn_prev, n_prev)
    d_new, idx_new = _nn_argmin(q2, qn, reached, yn_new, BS)

    idx_new_abs = idx_new + jnp.int32(start)
    vals, grads = _sc_finish(reached_goal_embedding_library,
                             idx_prev, idx_new_abs, d_prev, d_new)
    return vals, grads

# --- scband reference (transcript-rebuilt; emitter-appended) ---
"""Pipeline reference for scband-learning-progress-im-55868934586377 (READ-ONLY COPY).

The authoritative reference and input builder live on the scoring server;
editing this copy changes nothing except your own understanding.
"""

import jax, jax.numpy as jnp
import numpy as np


def distance_fn(a, b):
    return jnp.sum((a - b) ** 2)


def pairwise_sq_dist(Q, Y):
    # ||q - y||^2 = ||q||^2 + ||y||^2 - 2 q.y  (matmul form avoids (Q,K,d) intermediate)
    qn = jnp.sum(Q * Q, axis=1, keepdims=True)
    yn = jnp.sum(Y * Y, axis=1)
    return qn + yn[None, :] - 2.0 * (Q @ Y.T)


def nearest_neighbors(Q, Y, k):
    D = pairwise_sq_dist(Q, Y)
    neg_d, idx = jax.lax.top_k(-D, k)
    return idx, -neg_d


def setup_inputs(seed: int = 0) -> dict:
    key = jax.random.key(seed)
    k1, k2 = jax.random.split(key)
    N, d, batch_size = 50000, 256, 2048
    target_goal_embedding_library = jax.random.normal(k1, (N, d), dtype=jnp.float32)
    reached_goal_embedding_library = jax.random.normal(k2, (N, d), dtype=jnp.float32)
    return {
        "target_goal_embedding_library": target_goal_embedding_library,
        "reached_goal_embedding_library": reached_goal_embedding_library,
        "batch_size": batch_size,
    }


def reference(target_goal_embedding_library, reached_goal_embedding_library, batch_size):
    # slice newest batch of goals (libraries are single-leaf pytrees here)
    N = target_goal_embedding_library.shape[0]
    BS = 2048  # static slice size; setup_inputs always passes batch_size == 2048
    start = N - batch_size
    target_goals = jax.lax.dynamic_slice_in_dim(target_goal_embedding_library, start, BS)
    reached_goals = jax.lax.dynamic_slice_in_dim(reached_goal_embedding_library, start, BS)
    previously_reached = jax.lax.dynamic_slice_in_dim(reached_goal_embedding_library, 0, N - BS)

    # previously reached library is non-empty -> main branch
    prev_ids, _ = nearest_neighbors(target_goals, previously_reached, 1)
    previously_closest = previously_reached[prev_ids.squeeze(-1)]

    new_ids, _ = nearest_neighbors(target_goals, reached_goals, 1)
    new_closest = reached_goals[new_ids.squeeze(-1)]

    def LP(t, init_e, reach_e):
        return distance_fn(t, init_e) - distance_fn(t, reach_e)

    IM_vals, IM_grads = jax.vmap(jax.value_and_grad(LP, 0))(target_goals, previously_closest, new_closest)
    return IM_vals, IM_grads

if __name__ == "__main__":
    import jax
    _d = setup_inputs()
    print(jax.jit(kernel)(*tuple(_d.values())))

</pallas_src>

<mosaic_0001>
#map = affine_map<(d0, d1) -> (0, 0)>
#map1 = affine_map<(d0, d1) -> (0)>
module attributes {stable_mosaic.version = 14 : i64} {
  func.func @k(%arg0: i32, %arg1: i32, %arg2: memref<50000x256xf32, #tpu.memory_space<hbm>>, %arg3: memref<2048xi32, #tpu.memory_space<hbm>>, %arg4: memref<2048xi32, #tpu.memory_space<hbm>>, %arg5: memref<2048xf32, #tpu.memory_space<hbm>>, %arg6: memref<2048xf32, #tpu.memory_space<hbm>>, %arg7: memref<2048xf32, #tpu.memory_space<hbm>>, %arg8: memref<2048x256xf32, #tpu.memory_space<hbm>>, %arg9: memref<64xi32, #tpu.memory_space<vmem>>, %arg10: memref<64xi32, #tpu.memory_space<vmem>>, %arg11: memref<64x256xf32, #tpu.memory_space<vmem>>, %arg12: memref<64x256xf32, #tpu.memory_space<vmem>>, %arg13: memref<64x256xf32, #tpu.memory_space<vmem>>, %arg14: memref<64xf32, #tpu.memory_space<vmem>>, %arg15: memref<64xf32, #tpu.memory_space<vmem>>, %arg16: memref<64xf32, #tpu.memory_space<vmem>>, %arg17: memref<!tpu.dma_semaphore, #tpu.memory_space<semaphore_mem>>, %arg18: memref<!tpu.dma_semaphore, #tpu.memory_space<semaphore_mem>>) attributes {dimension_semantics = [#tpu.dimension_semantics<core_parallel>, #tpu.dimension_semantics<subcore_parallel>], iteration_bounds = array<i64: 2, 16>, scalar_prefetch = 0 : i64, scratch_operands = 10 : i64, tpu.core_type = #tpu.core_type<sc_vector_subcore>, window_params = [{transform_indices = #map}, {transform_indices = #map1}, {transform_indices = #map1}, {transform_indices = #map1}, {transform_indices = #map1}, {transform_indices = #map1}, {transform_indices = #map}]} {
    %mul3A = arith.constant 2 : i32
    %mul3A_0 = arith.muli %arg1, %mul3A : i32
    %add3A = arith.addi %mul3A_0, %arg0 : i32
    %mul3A_1 = arith.constant 64 : i32
    %mul3A_2 = arith.muli %add3A, %mul3A_1 : i32
    "tpu.region"() ({
      %run_scoped3A = tpu.sem_alloc : memref<!tpu.dma_semaphore, #tpu.memory_space<semaphore_mem>>
      %dma_start3A_59 = tpu.memref_slice %arg3[%mul3A_2] : memref<2048xi32, #tpu.memory_space<hbm>> -> memref<64xi32, #tpu.memory_space<hbm>>
      %dma_start3A_60 = tpu.memref_slice %arg3[%mul3A_2] : memref<2048xi32, #tpu.memory_space<hbm>> -> memref<64xi32, #tpu.memory_space<hbm>>
      tpu.enqueue_dma source(%dma_start3A_60 : memref<64xi32, #tpu.memory_space<hbm>>) target(%arg9 : memref<64xi32, #tpu.memory_space<vmem>>) target_semaphore(%run_scoped3A : memref<!tpu.dma_semaphore, #tpu.memory_space<semaphore_mem>>)
      %dma_wait3A_61 = tpu.memref_slice %arg3[%mul3A_2] : memref<2048xi32, #tpu.memory_space<hbm>> -> memref<64xi32, #tpu.memory_space<hbm>>
      %dma_wait3A_62 = tpu.memref_slice %arg3[%mul3A_2] : memref<2048xi32, #tpu.memory_space<hbm>> -> memref<64xi32, #tpu.memory_space<hbm>>
      tpu.wait_dma2 semaphore(%run_scoped3A : memref<!tpu.dma_semaphore, #tpu.memory_space<semaphore_mem>>) src(%dma_wait3A_62 : memref<64xi32, #tpu.memory_space<hbm>>) dst(%arg9 : memref<64xi32, #tpu.memory_space<vmem>>)
      tpu.yield
    }) : () -> ()
    "tpu.region"() ({
      %run_scoped3A = tpu.sem_alloc : memref<!tpu.dma_semaphore, #tpu.memory_space<semaphore_mem>>
      %dma_start3A_59 = tpu.memref_slice %arg4[%mul3A_2] : memref<2048xi32, #tpu.memory_space<hbm>> -> memref<64xi32, #tpu.memory_space<hbm>>
      %dma_start3A_60 = tpu.memref_slice %arg4[%mul3A_2] : memref<2048xi32, #tpu.memory_space<hbm>> -> memref<64xi32, #tpu.memory_space<hbm>>
      tpu.enqueue_dma source(%dma_start3A_60 : memref<64xi32, #tpu.memory_space<hbm>>) target(%arg10 : memref<64xi32, #tpu.memory_space<vmem>>) target_semaphore(%run_scoped3A : memref<!tpu.dma_semaphore, #tpu.memory_space<semaphore_mem>>)
      %dma_wait3A_61 = tpu.memref_slice %arg4[%mul3A_2] : memref<2048xi32, #tpu.memory_space<hbm>> -> memref<64xi32, #tpu.memory_space<hbm>>
      %dma_wait3A_62 = tpu.memref_slice %arg4[%mul3A_2] : memref<2048xi32, #tpu.memory_space<hbm>> -> memref<64xi32, #tpu.memory_space<hbm>>
      tpu.wait_dma2 semaphore(%run_scoped3A : memref<!tpu.dma_semaphore, #tpu.memory_space<semaphore_mem>>) src(%dma_wait3A_62 : memref<64xi32, #tpu.memory_space<hbm>>) dst(%arg10 : memref<64xi32, #tpu.memory_space<vmem>>)
      tpu.yield
    }) : () -> ()
    %dma_start3A = arith.constant 0 : i32
    %dma_start3A_3 = arith.constant 0 : i32
    %dma_start3A_4 = tpu.memref_slice %arg2[%dma_start3A, %dma_start3A_3] : memref<50000x256xf32, #tpu.memory_space<hbm>> -> memref<50000x256xf32, #tpu.memory_space<hbm>>
    tpu.enqueue_indirect_dma source(%dma_start3A_4 : memref<50000x256xf32, #tpu.memory_space<hbm>>) target(%arg11 : memref<64x256xf32, #tpu.memory_space<vmem>>) offsets(%arg9 : memref<64xi32, #tpu.memory_space<vmem>>) semaphore(%arg17 : memref<!tpu.dma_semaphore, #tpu.memory_space<semaphore_mem>>)
    %dma_start3A_5 = arith.constant 0 : i32
    %dma_start3A_6 = arith.constant 0 : i32
    %dma_start3A_7 = tpu.memref_slice %arg2[%dma_start3A_5, %dma_start3A_6] : memref<50000x256xf32, #tpu.memory_space<hbm>> -> memref<50000x256xf32, #tpu.memory_space<hbm>>
    tpu.enqueue_indirect_dma source(%dma_start3A_7 : memref<50000x256xf32, #tpu.memory_space<hbm>>) target(%arg12 : memref<64x256xf32, #tpu.memory_space<vmem>>) offsets(%arg10 : memref<64xi32, #tpu.memory_space<vmem>>) semaphore(%arg18 : memref<!tpu.dma_semaphore, #tpu.memory_space<semaphore_mem>>)
    "tpu.region"() ({
      %run_scoped3A = tpu.sem_alloc : memref<!tpu.dma_semaphore, #tpu.memory_space<semaphore_mem>>
      %dma_start3A_59 = tpu.memref_slice %arg5[%mul3A_2] : memref<2048xf32, #tpu.memory_space<hbm>> -> memref<64xf32, #tpu.memory_space<hbm>>
      %dma_start3A_60 = tpu.memref_slice %arg5[%mul3A_2] : memref<2048xf32, #tpu.memory_space<hbm>> -> memref<64xf32, #tpu.memory_space<hbm>>
      tpu.enqueue_dma source(%dma_start3A_60 : memref<64xf32, #tpu.memory_space<hbm>>) target(%arg14 : memref<64xf32, #tpu.memory_space<vmem>>) target_semaphore(%run_scoped3A : memref<!tpu.dma_semaphore, #tpu.memory_space<semaphore_mem>>)
      %dma_wait3A_61 = tpu.memref_slice %arg5[%mul3A_2] : memref<2048xf32, #tpu.memory_space<hbm>> -> memref<64xf32, #tpu.memory_space<hbm>>
      %dma_wait3A_62 = tpu.memref_slice %arg5[%mul3A_2] : memref<2048xf32, #tpu.memory_space<hbm>> -> memref<64xf32, #tpu.memory_space<hbm>>
      tpu.wait_dma2 semaphore(%run_scoped3A : memref<!tpu.dma_semaphore, #tpu.memory_space<semaphore_mem>>) src(%dma_wait3A_62 : memref<64xf32, #tpu.memory_space<hbm>>) dst(%arg14 : memref<64xf32, #tpu.memory_space<vmem>>)
      tpu.yield
    }) : () -> ()
    "tpu.region"() ({
      %run_scoped3A = tpu.sem_alloc : memref<!tpu.dma_semaphore, #tpu.memory_space<semaphore_mem>>
      %dma_start3A_59 = tpu.memref_slice %arg6[%mul3A_2] : memref<2048xf32, #tpu.memory_space<hbm>> -> memref<64xf32, #tpu.memory_space<hbm>>
      %dma_start3A_60 = tpu.memref_slice %arg6[%mul3A_2] : memref<2048xf32, #tpu.memory_space<hbm>> -> memref<64xf32, #tpu.memory_space<hbm>>
      tpu.enqueue_dma source(%dma_start3A_60 : memref<64xf32, #tpu.memory_space<hbm>>) target(%arg15 : memref<64xf32, #tpu.memory_space<vmem>>) target_semaphore(%run_scoped3A : memref<!tpu.dma_semaphore, #tpu.memory_space<semaphore_mem>>)
      %dma_wait3A_61 = tpu.memref_slice %arg6[%mul3A_2] : memref<2048xf32, #tpu.memory_space<hbm>> -> memref<64xf32, #tpu.memory_space<hbm>>
      %dma_wait3A_62 = tpu.memref_slice %arg6[%mul3A_2] : memref<2048xf32, #tpu.memory_space<hbm>> -> memref<64xf32, #tpu.memory_space<hbm>>
      tpu.wait_dma2 semaphore(%run_scoped3A : memref<!tpu.dma_semaphore, #tpu.memory_space<semaphore_mem>>) src(%dma_wait3A_62 : memref<64xf32, #tpu.memory_space<hbm>>) dst(%arg15 : memref<64xf32, #tpu.memory_space<vmem>>)
      tpu.yield
    }) : () -> ()
    %get3A = arith.constant 0 : index
    %get3A_8 = tpu.vector_load %arg14[%get3A] {strides = array<i32>} : memref<64xf32, #tpu.memory_space<vmem>>, vector<16xf32>,
    %get3A_9 = vector.shape_cast %get3A_8 : vector<16xf32> to vector<16xf32>
    %get3A_10 = arith.constant 0 : index
    %get3A_11 = tpu.vector_load %arg15[%get3A_10] {strides = array<i32>} : memref<64xf32, #tpu.memory_space<vmem>>, vector<16xf32>,
    %get3A_12 = vector.shape_cast %get3A_11 : vector<16xf32> to vector<16xf32>
    %sub3A = arith.subf %get3A_9, %get3A_12 : vector<16xf32>
    %swap3A = arith.constant 0 : index
    %swap3A_13 = tpu.vector_load %arg16[%swap3A] {strides = array<i32>} : memref<64xf32, #tpu.memory_space<vmem>>, vector<16xf32>,
    %swap3A_14 = vector.shape_cast %swap3A_13 : vector<16xf32> to vector<16xf32>
    %swap3A_15 = vector.shape_cast %sub3A : vector<16xf32> to vector<16xf32>
    tpu.vector_store %arg16[%swap3A], %swap3A_15 {strides = array<i32>} : memref<64xf32, #tpu.memory_space<vmem>>, vector<16xf32>,
    %get3A_16 = arith.constant 16 : index
    %get3A_17 = tpu.vector_load %arg14[%get3A_16] {strides = array<i32>} : memref<64xf32, #tpu.memory_space<vmem>>, vector<16xf32>,
    %get3A_18 = vector.shape_cast %get3A_17 : vector<16xf32> to vector<16xf32>
    %get3A_19 = arith.constant 16 : index
    %get3A_20 = tpu.vector_load %arg15[%get3A_19] {strides = array<i32>} : memref<64xf32, #tpu.memory_space<vmem>>, vector<16xf32>,
    %get3A_21 = vector.shape_cast %get3A_20 : vector<16xf32> to vector<16xf32>
    %sub3A_22 = arith.subf %get3A_18, %get3A_21 : vector<16xf32>
    %swap3A_23 = arith.constant 16 : index
    %swap3A_24 = tpu.vector_load %arg16[%swap3A_23] {strides = array<i32>} : memref<64xf32, #tpu.memory_space<vmem>>, vector<16xf32>,
    %swap3A_25 = vector.shape_cast %swap3A_24 : vector<16xf32> to vector<16xf32>
    %swap3A_26 = vector.shape_cast %sub3A_22 : vector<16xf32> to vector<16xf32>
    tpu.vector_store %arg16[%swap3A_23], %swap3A_26 {strides = array<i32>} : memref<64xf32, #tpu.memory_space<vmem>>, vector<16xf32>,
    %get3A_27 = arith.constant 32 : index
    %get3A_28 = tpu.vector_load %arg14[%get3A_27] {strides = array<i32>} : memref<64xf32, #tpu.memory_space<vmem>>, vector<16xf32>,
    %get3A_29 = vector.shape_cast %get3A_28 : vector<16xf32> to vector<16xf32>
    %get3A_30 = arith.constant 32 : index
    %get3A_31 = tpu.vector_load %arg15[%get3A_30] {strides = array<i32>} : memref<64xf32, #tpu.memory_space<vmem>>, vector<16xf32>,
    %get3A_32 = vector.shape_cast %get3A_31 : vector<16xf32> to vector<16xf32>
    %sub3A_33 = arith.subf %get3A_29, %get3A_32 : vector<16xf32>
    %swap3A_34 = arith.constant 32 : index
    %swap3A_35 = tpu.vector_load %arg16[%swap3A_34] {strides = array<i32>} : memref<64xf32, #tpu.memory_space<vmem>>, vector<16xf32>,
    %swap3A_36 = vector.shape_cast %swap3A_35 : vector<16xf32> to vector<16xf32>
    %swap3A_37 = vector.shape_cast %sub3A_33 : vector<16xf32> to vector<16xf32>
    tpu.vector_store %arg16[%swap3A_34], %swap3A_37 {strides = array<i32>} : memref<64xf32, #tpu.memory_space<vmem>>, vector<16xf32>,
    %get3A_38 = arith.constant 48 : index
    %get3A_39 = tpu.vector_load %arg14[%get3A_38] {strides = array<i32>} : memref<64xf32, #tpu.memory_space<vmem>>, vector<16xf32>,
    %get3A_40 = vector.shape_cast %get3A_39 : vector<16xf32> to vector<16xf32>
    %get3A_41 = arith.constant 48 : index
    %get3A_42 = tpu.vector_load %arg15[%get3A_41] {strides = array<i32>} : memref<64xf32, #tpu.memory_space<vmem>>, vector<16xf32>,
    %get3A_43 = vector.shape_cast %get3A_42 : vector<16xf32> to vector<16xf32>
    %sub3A_44 = arith.subf %get3A_40, %get3A_43 : vector<16xf32>
    %swap3A_45 = arith.constant 48 : index
    %swap3A_46 = tpu.vector_load %arg16[%swap3A_45] {strides = array<i32>} : memref<64xf32, #tpu.memory_space<vmem>>, vector<16xf32>,
    %swap3A_47 = vector.shape_cast %swap3A_46 : vector<16xf32> to vector<16xf32>
    %swap3A_48 = vector.shape_cast %sub3A_44 : vector<16xf32> to vector<16xf32>
    tpu.vector_store %arg16[%swap3A_45], %swap3A_48 {strides = array<i32>} : memref<64xf32, #tpu.memory_space<vmem>>, vector<16xf32>,
    "tpu.region"() ({
      %run_scoped3A = tpu.sem_alloc : memref<!tpu.dma_semaphore, #tpu.memory_space<semaphore_mem>>
      %dma_start3A_59 = tpu.memref_slice %arg7[%mul3A_2] : memref<2048xf32, #tpu.memory_space<hbm>> -> memref<64xf32, #tpu.memory_space<hbm>>
      %dma_start3A_60 = tpu.memref_slice %arg7[%mul3A_2] : memref<2048xf32, #tpu.memory_space<hbm>> -> memref<64xf32, #tpu.memory_space<hbm>>
      tpu.enqueue_dma source(%arg16 : memref<64xf32, #tpu.memory_space<vmem>>) target(%dma_start3A_60 : memref<64xf32, #tpu.memory_space<hbm>>) target_semaphore(%run_scoped3A : memref<!tpu.dma_semaphore, #tpu.memory_space<semaphore_mem>>)
      %dma_wait3A_61 = tpu.memref_slice %arg7[%mul3A_2] : memref<2048xf32, #tpu.memory_space<hbm>> -> memref<64xf32, #tpu.memory_space<hbm>>
      %dma_wait3A_62 = tpu.memref_slice %arg7[%mul3A_2] : memref<2048xf32, #tpu.memory_space<hbm>> -> memref<64xf32, #tpu.memory_space<hbm>>
      tpu.wait_dma2 semaphore(%run_scoped3A : memref<!tpu.dma_semaphore, #tpu.memory_space<semaphore_mem>>) src(%arg16 : memref<64xf32, #tpu.memory_space<vmem>>) dst(%dma_wait3A_62 : memref<64xf32, #tpu.memory_space<hbm>>)
      tpu.yield
    }) : () -> ()
    %dma_wait3A = arith.constant 0 : i32
    %dma_wait3A_49 = arith.constant 0 : i32
    %dma_wait3A_50 = tpu.memref_slice %arg2[%dma_wait3A, %dma_wait3A_49] : memref<50000x256xf32, #tpu.memory_space<hbm>> -> memref<50000x256xf32, #tpu.memory_space<hbm>>
    tpu.wait_indirect_dma semaphore(%arg17 : memref<!tpu.dma_semaphore, #tpu.memory_space<semaphore_mem>>) src(%dma_wait3A_50 : memref<50000x256xf32, #tpu.memory_space<hbm>>) dst(%arg11 : memref<64x256xf32, #tpu.memory_space<vmem>>)
    %dma_wait3A_51 = arith.constant 0 : i32
    %dma_wait3A_52 = arith.constant 0 : i32
    %dma_wait3A_53 = tpu.memref_slice %arg2[%dma_wait3A_51, %dma_wait3A_52] : memref<50000x256xf32, #tpu.memory_space<hbm>> -> memref<50000x256xf32, #tpu.memory_space<hbm>>
    tpu.wait_indirect_dma semaphore(%arg18 : memref<!tpu.dma_semaphore, #tpu.memory_space<semaphore_mem>>) src(%dma_wait3A_53 : memref<50000x256xf32, #tpu.memory_space<hbm>>) dst(%arg12 : memref<64x256xf32, #tpu.memory_space<vmem>>)
    %scan3A = arith.constant 0 : i32
    %scan3A_54 = arith.constant 0 : i32
    %scan3A_55 = arith.constant 64 : i32
    %scan3A_56 = arith.addi %scan3A_54, %scan3A_55 : i32
    %scan3A_57 = arith.constant 1 : i32
    scf.for %scan3A_59 = %scan3A_54 to %scan3A_56 step %scan3A_57  : i32 {
      %get3A_60 = arith.index_cast %scan3A_59 : i32 to index
      %get3A_61 = arith.constant 0 : index
      %get3A_62 = tpu.vector_load %arg12[%get3A_60, %get3A_61] {strides = array<i32>} : memref<64x256xf32, #tpu.memory_space<vmem>>, vector<1x16xf32>,
      %get3A_63 = vector.shape_cast %get3A_62 : vector<1x16xf32> to vector<16xf32>
      %get3A_64 = arith.index_cast %scan3A_59 : i32 to index
      %get3A_65 = arith.constant 0 : index
      %get3A_66 = tpu.vector_load %arg11[%get3A_64, %get3A_65] {strides = array<i32>} : memref<64x256xf32, #tpu.memory_space<vmem>>, vector<1x16xf32>,
      %get3A_67 = vector.shape_cast %get3A_66 : vector<1x16xf32> to vector<16xf32>
      %sub3A_68 = arith.subf %get3A_63, %get3A_67 : vector<16xf32>
      %mul3A_69 = arith.constant 2.000000e+00 : f32
      %mul3A_70 = vector.broadcast %mul3A_69 : f32 to vector<16xf32>
      %mul3A_71 = arith.mulf %sub3A_68, %mul3A_70 : vector<16xf32>
      %swap3A_72 = arith.index_cast %scan3A_59 : i32 to index
      %swap3A_73 = arith.constant 0 : index
      %swap3A_74 = tpu.vector_load %arg13[%swap3A_72, %swap3A_73] {strides = array<i32>} : memref<64x256xf32, #tpu.memory_space<vmem>>, vector<1x16xf32>,
      %swap3A_75 = vector.shape_cast %swap3A_74 : vector<1x16xf32> to vector<16xf32>
      %swap3A_76 = vector.shape_cast %mul3A_71 : vector<16xf32> to vector<1x16xf32>
      tpu.vector_store %arg13[%swap3A_72, %swap3A_73], %swap3A_76 {strides = array<i32>} : memref<64x256xf32, #tpu.memory_space<vmem>>, vector<1x16xf32>,
      %get3A_77 = arith.index_cast %scan3A_59 : i32 to index
      %get3A_78 = arith.constant 16 : index
      %get3A_79 = tpu.vector_load %arg12[%get3A_77, %get3A_78] {strides = array<i32>} : memref<64x256xf32, #tpu.memory_space<vmem>>, vector<1x16xf32>,
      %get3A_80 = vector.shape_cast %get3A_79 : vector<1x16xf32> to vector<16xf32>
      %get3A_81 = arith.index_cast %scan3A_59 : i32 to index
      %get3A_82 = arith.constant 16 : index
      %get3A_83 = tpu.vector_load %arg11[%get3A_81, %get3A_82] {strides = array<i32>} : memref<64x256xf32, #tpu.memory_space<vmem>>, vector<1x16xf32>,
      %get3A_84 = vector.shape_cast %get3A_83 : vector<1x16xf32> to vector<16xf32>
      %sub3A_85 = arith.subf %get3A_80, %get3A_84 : vector<16xf32>
      %mul3A_86 = arith.constant 2.000000e+00 : f32
      %mul3A_87 = vector.broadcast %mul3A_86 : f32 to vector<16xf32>
      %mul3A_88 = arith.mulf %sub3A_85, %mul3A_87 : vector<16xf32>
      %swap3A_89 = arith.index_cast %scan3A_59 : i32 to index
      %swap3A_90 = arith.constant 16 : index
      %swap3A_91 = tpu.vector_load %arg13[%swap3A_89, %swap3A_90] {strides = array<i32>} : memref<64x256xf32, #tpu.memory_space<vmem>>, vector<1x16xf32>,
      %swap3A_92 = vector.shape_cast %swap3A_91 : vector<1x16xf32> to vector<16xf32>
      %swap3A_93 = vector.shape_cast %mul3A_88 : vector<16xf32> to vector<1x16xf32>
      tpu.vector_store %arg13[%swap3A_89, %swap3A_90], %swap3A_93 {strides = array<i32>} : memref<64x256xf32, #tpu.memory_space<vmem>>, vector<1x16xf32>,
      %get3A_94 = arith.index_cast %scan3A_59 : i32 to index
      %get3A_95 = arith.constant 32 : index
      %get3A_96 = tpu.vector_load %arg12[%get3A_94, %get3A_95] {strides = array<i32>} : memref<64x256xf32, #tpu.memory_space<vmem>>, vector<1x16xf32>,
      %get3A_97 = vector.shape_cast %get3A_96 : vector<1x16xf32> to vector<16xf32>
      %get3A_98 = arith.index_cast %scan3A_59 : i32 to index
      %get3A_99 = arith.constant 32 : index
      %get3A_100 = tpu.vector_load %arg11[%get3A_98, %get3A_99] {strides = array<i32>} : memref<64x256xf32, #tpu.memory_space<vmem>>, vector<1x16xf32>,
      %get3A_101 = vector.shape_cast %get3A_100 : vector<1x16xf32> to vector<16xf32>
      %sub3A_102 = arith.subf %get3A_97, %get3A_101 : vector<16xf32>
      %mul3A_103 = arith.constant 2.000000e+00 : f32
      %mul3A_104 = vector.broadcast %mul3A_103 : f32 to vector<16xf32>
      %mul3A_105 = arith.mulf %sub3A_102, %mul3A_104 : vector<16xf32>
      %swap3A_106 = arith.index_cast %scan3A_59 : i32 to index
      %swap3A_107 = arith.constant 32 : index
      %swap3A_108 = tpu.vector_load %arg13[%swap3A_106, %swap3A_107] {strides = array<i32>} : memref<64x256xf32, #tpu.memory_space<vmem>>, vector<1x16xf32>,
      %swap3A_109 = vector.shape_cast %swap3A_108 : vector<1x16xf32> to vector<16xf32>
      %swap3A_110 = vector.shape_cast %mul3A_105 : vector<16xf32> to vector<1x16xf32>
      tpu.vector_store %arg13[%swap3A_106, %swap3A_107], %swap3A_110 {strides = array<i32>} : memref<64x256xf32, #tpu.memory_space<vmem>>, vector<1x16xf32>,
      %get3A_111 = arith.index_cast %scan3A_59 : i32 to index
      %get3A_112 = arith.constant 48 : index
      %get3A_113 = tpu.vector_load %arg12[%get3A_111, %get3A_112] {strides = array<i32>} : memref<64x256xf32, #tpu.memory_space<vmem>>, vector<1x16xf32>,
      %get3A_114 = vector.shape_cast %get3A_113 : vector<1x16xf32> to vector<16xf32>
      %get3A_115 = arith.index_cast %scan3A_59 : i32 to index
      %get3A_116 = arith.constant 48 : index
      %get3A_117 = tpu.vector_load %arg11[%get3A_115, %get3A_116] {strides = array<i32>} : memref<64x256xf32, #tpu.memory_space<vmem>>, vector<1x16xf32>,
      %get3A_118 = vector.shape_cast %get3A_117 : vector<1x16xf32> to vector<16xf32>
      %sub3A_119 = arith.subf %get3A_114, %get3A_118 : vector<16xf32>
      %mul3A_120 = arith.constant 2.000000e+00 : f32
      %mul3A_121 = vector.broadcast %mul3A_120 : f32 to vector<16xf32>
      %mul3A_122 = arith.mulf %sub3A_119, %mul3A_121 : vector<16xf32>
      %swap3A_123 = arith.index_cast %scan3A_59 : i32 to index
      %swap3A_124 = arith.constant 48 : index
      %swap3A_125 = tpu.vector_load %arg13[%swap3A_123, %swap3A_124] {strides = array<i32>} : memref<64x256xf32, #tpu.memory_space<vmem>>, vector<1x16xf32>,
      %swap3A_126 = vector.shape_cast %swap3A_125 : vector<1x16xf32> to vector<16xf32>
      %swap3A_127 = vector.shape_cast %mul3A_122 : vector<16xf32> to vector<1x16xf32>
      tpu.vector_store %arg13[%swap3A_123, %swap3A_124], %swap3A_127 {strides = array<i32>} : memref<64x256xf32, #tpu.memory_space<vmem>>, vector<1x16xf32>,
      %get3A_128 = arith.index_cast %scan3A_59 : i32 to index
      %get3A_129 = arith.constant 64 : index
      %get3A_130 = tpu.vector_load %arg12[%get3A_128, %get3A_129] {strides = array<i32>} : memref<64x256xf32, #tpu.memory_space<vmem>>, vector<1x16xf32>,
      %get3A_131 = vector.shape_cast %get3A_130 : vector<1x16xf32> to vector<16xf32>
      %get3A_132 = arith.index_cast %scan3A_59 : i32 to index
      %get3A_133 = arith.constant 64 : index
      %get3A_134 = tpu.vector_load %arg11[%get3A_132, %get3A_133] {strides = array<i32>} : memref<64x256xf32, #tpu.memory_space<vmem>>, vector<1x16xf32>,
      %get3A_135 = vector.shape_cast %get3A_134 : vector<1x16xf32> to vector<16xf32>
      %sub3A_136 = arith.subf %get3A_131, %get3A_135 : vector<16xf32>
      %mul3A_137 = arith.constant 2.000000e+00 : f32
      %mul3A_138 = vector.broadcast %mul3A_137 : f32 to vector<16xf32>
      %mul3A_139 = arith.mulf %sub3A_136, %mul3A_138 : vector<16xf32>
      %swap3A_140 = arith.index_cast %scan3A_59 : i32 to index
      %swap3A_141 = arith.constant 64 : index
      %swap3A_142 = tpu.vector_load %arg13[%swap3A_140, %swap3A_141] {strides = array<i32>} : memref<64x256xf32, #tpu.memory_space<vmem>>, vector<1x16xf32>,
      %swap3A_143 = vector.shape_cast %swap3A_142 : vector<1x16xf32> to vector<16xf32>
      %swap3A_144 = vector.shape_cast %mul3A_139 : vector<16xf32> to vector<1x16xf32>
      tpu.vector_store %arg13[%swap3A_140, %swap3A_141], %swap3A_144 {strides = array<i32>} : memref<64x256xf32, #tpu.memory_space<vmem>>, vector<1x16xf32>,
      %get3A_145 = arith.index_cast %scan3A_59 : i32 to index
      %get3A_146 = arith.constant 80 : index
      %get3A_147 = tpu.vector_load %arg12[%get3A_145, %get3A_146] {strides = array<i32>} : memref<64x256xf32, #tpu.memory_space<vmem>>, vector<1x16xf32>,
      %get3A_148 = vector.shape_cast %get3A_147 : vector<1x16xf32> to vector<16xf32>
      %get3A_149 = arith.index_cast %scan3A_59 : i32 to index
      %get3A_150 = arith.constant 80 : index
      %get3A_151 = tpu.vector_load %arg11[%get3A_149, %get3A_150] {strides = array<i32>} : memref<64x256xf32, #tpu.memory_space<vmem>>, vector<1x16xf32>,
      %get3A_152 = vector.shape_cast %get3A_151 : vector<1x16xf32> to vector<16xf32>
      %sub3A_153 = arith.subf %get3A_148, %get3A_152 : vector<16xf32>
      %mul3A_154 = arith.constant 2.000000e+00 : f32
      %mul3A_155 = vector.broadcast %mul3A_154 : f32 to vector<16xf32>
      %mul3A_156 = arith.mulf %sub3A_153, %mul3A_155 : vector<16xf32>
      %swap3A_157 = arith.index_cast %scan3A_59 : i32 to index
      %swap3A_158 = arith.constant 80 : index
      %swap3A_159 = tpu.vector_load %arg13[%swap3A_157, %swap3A_158] {strides = array<i32>} : memref<64x256xf32, #tpu.memory_space<vmem>>, vector<1x16xf32>,
      %swap3A_160 = vector.shape_cast %swap3A_159 : vector<1x16xf32> to vector<16xf32>
      %swap3A_161 = vector.shape_cast %mul3A_156 : vector<16xf32> to vector<1x16xf32>
      tpu.vector_store %arg13[%swap3A_157, %swap3A_158], %swap3A_161 {strides = array<i32>} : memref<64x256xf32, #tpu.memory_space<vmem>>, vector<1x16xf32>,
      %get3A_162 = arith.index_cast %scan3A_59 : i32 to index
      %get3A_163 = arith.constant 96 : index
      %get3A_164 = tpu.vector_load %arg12[%get3A_162, %get3A_163] {strides = array<i32>} : memref<64x256xf32, #tpu.memory_space<vmem>>, vector<1x16xf32>,
      %get3A_165 = vector.shape_cast %get3A_164 : vector<1x16xf32> to vector<16xf32>
      %get3A_166 = arith.index_cast %scan3A_59 : i32 to index
      %get3A_167 = arith.constant 96 : index
      %get3A_168 = tpu.vector_load %arg11[%get3A_166, %get3A_167] {strides = array<i32>} : memref<64x256xf32, #tpu.memory_space<vmem>>, vector<1x16xf32>,
      %get3A_169 = vector.shape_cast %get3A_168 : vector<1x16xf32> to vector<16xf32>
      %sub3A_170 = arith.subf %get3A_165, %get3A_169 : vector<16xf32>
      %mul3A_171 = arith.constant 2.000000e+00 : f32
      %mul3A_172 = vector.broadcast %mul3A_171 : f32 to vector<16xf32>
      %mul3A_173 = arith.mulf %sub3A_170, %mul3A_172 : vector<16xf32>
      %swap3A_174 = arith.index_cast %scan3A_59 : i32 to index
      %swap3A_175 = arith.constant 96 : index
      %swap3A_176 = tpu.vector_load %arg13[%swap3A_174, %swap3A_175] {strides = array<i32>} : memref<64x256xf32, #tpu.memory_space<vmem>>, vector<1x16xf32>,
      %swap3A_177 = vector.shape_cast %swap3A_176 : vector<1x16xf32> to vector<16xf32>
      %swap3A_178 = vector.shape_cast %mul3A_173 : vector<16xf32> to vector<1x16xf32>
      tpu.vector_store %arg13[%swap3A_174, %swap3A_175], %swap3A_178 {strides = array<i32>} : memref<64x256xf32, #tpu.memory_space<vmem>>, vector<1x16xf32>,
      %get3A_179 = arith.index_cast %scan3A_59 : i32 to index
      %get3A_180 = arith.constant 112 : index
      %get3A_181 = tpu.vector_load %arg12[%get3A_179, %get3A_180] {strides = array<i32>} : memref<64x256xf32, #tpu.memory_space<vmem>>, vector<1x16xf32>,
      %get3A_182 = vector.shape_cast %get3A_181 : vector<1x16xf32> to vector<16xf32>
      %get3A_183 = arith.index_cast %scan3A_59 : i32 to index
      %get3A_184 = arith.constant 112 : index
      %get3A_185 = tpu.vector_load %arg11[%get3A_183, %get3A_184] {strides = array<i32>} : memref<64x256xf32, #tpu.memory_space<vmem>>, vector<1x16xf32>,
      %get3A_186 = vector.shape_cast %get3A_185 : vector<1x16xf32> to vector<16xf32>
      %sub3A_187 = arith.subf %get3A_182, %get3A_186 : vector<16xf32>
      %mul3A_188 = arith.constant 2.000000e+00 : f32
      %mul3A_189 = vector.broadcast %mul3A_188 : f32 to vector<16xf32>
      %mul3A_190 = arith.mulf %sub3A_187, %mul3A_189 : vector<16xf32>
      %swap3A_191 = arith.index_cast %scan3A_59 : i32 to index
      %swap3A_192 = arith.constant 112 : index
      %swap3A_193 = tpu.vector_load %arg13[%swap3A_191, %swap3A_192] {strides = array<i32>} : memref<64x256xf32, #tpu.memory_space<vmem>>, vector<1x16xf32>,
      %swap3A_194 = vector.shape_cast %swap3A_193 : vector<1x16xf32> to vector<16xf32>
      %swap3A_195 = vector.shape_cast %mul3A_190 : vector<16xf32> to vector<1x16xf32>
      tpu.vector_store %arg13[%swap3A_191, %swap3A_192], %swap3A_195 {strides = array<i32>} : memref<64x256xf32, #tpu.memory_space<vmem>>, vector<1x16xf32>,
      %get3A_196 = arith.index_cast %scan3A_59 : i32 to index
      %get3A_197 = arith.constant 128 : index
      %get3A_198 = tpu.vector_load %arg12[%get3A_196, %get3A_197] {strides = array<i32>} : memref<64x256xf32, #tpu.memory_space<vmem>>, vector<1x16xf32>,
      %get3A_199 = vector.shape_cast %get3A_198 : vector<1x16xf32> to vector<16xf32>
      %get3A_200 = arith.index_cast %scan3A_59 : i32 to index
      %get3A_201 = arith.constant 128 : index
      %get3A_202 = tpu.vector_load %arg11[%get3A_200, %get3A_201] {strides = array<i32>} : memref<64x256xf32, #tpu.memory_space<vmem>>, vector<1x16xf32>,
      %get3A_203 = vector.shape_cast %get3A_202 : vector<1x16xf32> to vector<16xf32>
      %sub3A_204 = arith.subf %get3A_199, %get3A_203 : vector<16xf32>
      %mul3A_205 = arith.constant 2.000000e+00 : f32
      %mul3A_206 = vector.broadcast %mul3A_205 : f32 to vector<16xf32>
      %mul3A_207 = arith.mulf %sub3A_204, %mul3A_206 : vector<16xf32>
      %swap3A_208 = arith.index_cast %scan3A_59 : i32 to index
      %swap3A_209 = arith.constant 128 : index
      %swap3A_210 = tpu.vector_load %arg13[%swap3A_208, %swap3A_209] {strides = array<i32>} : memref<64x256xf32, #tpu.memory_space<vmem>>, vector<1x16xf32>,
      %swap3A_211 = vector.shape_cast %swap3A_210 : vector<1x16xf32> to vector<16xf32>
      %swap3A_212 = vector.shape_cast %mul3A_207 : vector<16xf32> to vector<1x16xf32>
      tpu.vector_store %arg13[%swap3A_208, %swap3A_209], %swap3A_212 {strides = array<i32>} : memref<64x256xf32, #tpu.memory_space<vmem>>, vector<1x16xf32>,
      %get3A_213 = arith.index_cast %scan3A_59 : i32 to index
      %get3A_214 = arith.constant 144 : index
      %get3A_215 = tpu.vector_load %arg12[%get3A_213, %get3A_214] {strides = array<i32>} : memref<64x256xf32, #tpu.memory_space<vmem>>, vector<1x16xf32>,
      %get3A_216 = vector.shape_cast %get3A_215 : vector<1x16xf32> to vector<16xf32>
      %get3A_217 = arith.index_cast %scan3A_59 : i32 to index
      %get3A_218 = arith.constant 144 : index
      %get3A_219 = tpu.vector_load %arg11[%get3A_217, %get3A_218] {strides = array<i32>} : memref<64x256xf32, #tpu.memory_space<vmem>>, vector<1x16xf32>,
      %get3A_220 = vector.shape_cast %get3A_219 : vector<1x16xf32> to vector<16xf32>
      %sub3A_221 = arith.subf %get3A_216, %get3A_220 : vector<16xf32>
      %mul3A_222 = arith.constant 2.000000e+00 : f32
      %mul3A_223 = vector.broadcast %mul3A_222 : f32 to vector<16xf32>
      %mul3A_224 = arith.mulf %sub3A_221, %mul3A_223 : vector<16xf32>
      %swap3A_225 = arith.index_cast %scan3A_59 : i32 to index
      %swap3A_226 = arith.constant 144 : index
      %swap3A_227 = tpu.vector_load %arg13[%swap3A_225, %swap3A_226] {strides = array<i32>} : memref<64x256xf32, #tpu.memory_space<vmem>>, vector<1x16xf32>,
      %swap3A_228 = vector.shape_cast %swap3A_227 : vector<1x16xf32> to vector<16xf32>
      %swap3A_229 = vector.shape_cast %mul3A_224 : vector<16xf32> to vector<1x16xf32>
      tpu.vector_store %arg13[%swap3A_225, %swap3A_226], %swap3A_229 {strides = array<i32>} : memref<64x256xf32, #tpu.memory_space<vmem>>, vector<1x16xf32>,
      %get3A_230 = arith.index_cast %scan3A_59 : i32 to index
      %get3A_231 = arith.constant 160 : index
      %get3A_232 = tpu.vector_load %arg12[%get3A_230, %get3A_231] {strides = array<i32>} : memref<64x256xf32, #tpu.memory_space<vmem>>, vector<1x16xf32>,
      %get3A_233 = vector.shape_cast %get3A_232 : vector<1x16xf32> to vector<16xf32>
      %get3A_234 = arith.index_cast %scan3A_59 : i32 to index
      %get3A_235 = arith.constant 160 : index
      %get3A_236 = tpu.vector_load %arg11[%get3A_234, %get3A_235] {strides = array<i32>} : memref<64x256xf32, #tpu.memory_space<vmem>>, vector<1x16xf32>,
      %get3A_237 = vector.shape_cast %get3A_236 : vector<1x16xf32> to vector<16xf32>
      %sub3A_238 = arith.subf %get3A_233, %get3A_237 : vector<16xf32>
      %mul3A_239 = arith.constant 2.000000e+00 : f32
      %mul3A_240 = vector.broadcast %mul3A_239 : f32 to vector<16xf32>
      %mul3A_241 = arith.mulf %sub3A_238, %mul3A_240 : vector<16xf32>
      %swap3A_242 = arith.index_cast %scan3A_59 : i32 to index
      %swap3A_243 = arith.constant 160 : index
      %swap3A_244 = tpu.vector_load %arg13[%swap3A_242, %swap3A_243] {strides = array<i32>} : memref<64x256xf32, #tpu.memory_space<vmem>>, vector<1x16xf32>,
      %swap3A_245 = vector.shape_cast %swap3A_244 : vector<1x16xf32> to vector<16xf32>
      %swap3A_246 = vector.shape_cast %mul3A_241 : vector<16xf32> to vector<1x16xf32>
      tpu.vector_store %arg13[%swap3A_242, %swap3A_243], %swap3A_246 {strides = array<i32>} : memref<64x256xf32, #tpu.memory_space<vmem>>, vector<1x16xf32>,
      %get3A_247 = arith.index_cast %scan3A_59 : i32 to index
      %get3A_248 = arith.constant 176 : index
      %get3A_249 = tpu.vector_load %arg12[%get3A_247, %get3A_248] {strides = array<i32>} : memref<64x256xf32, #tpu.memory_space<vmem>>, vector<1x16xf32>,
      %get3A_250 = vector.shape_cast %get3A_249 : vector<1x16xf32> to vector<16xf32>
      %get3A_251 = arith.index_cast %scan3A_59 : i32 to index
      %get3A_252 = arith.constant 176 : index
      %get3A_253 = tpu.vector_load %arg11[%get3A_251, %get3A_252] {strides = array<i32>} : memref<64x256xf32, #tpu.memory_space<vmem>>, vector<1x16xf32>,
      %get3A_254 = vector.shape_cast %get3A_253 : vector<1x16xf32> to vector<16xf32>
      %sub3A_255 = arith.subf %get3A_250, %get3A_254 : vector<16xf32>
      %mul3A_256 = arith.constant 2.000000e+00 : f32
      %mul3A_257 = vector.broadcast %mul3A_256 : f32 to vector<16xf32>
      %mul3A_258 = arith.mulf %sub3A_255, %mul3A_257 : vector<16xf32>
      %swap3A_259 = arith.index_cast %scan3A_59 : i32 to index
      %swap3A_260 = arith.constant 176 : index
      %swap3A_261 = tpu.vector_load %arg13[%swap3A_259, %swap3A_260] {strides = array<i32>} : memref<64x256xf32, #tpu.memory_space<vmem>>, vector<1x16xf32>,
      %swap3A_262 = vector.shape_cast %swap3A_261 : vector<1x16xf32> to vector<16xf32>
      %swap3A_263 = vector.shape_cast %mul3A_258 : vector<16xf32> to vector<1x16xf32>
      tpu.vector_store %arg13[%swap3A_259, %swap3A_260], %swap3A_263 {strides = array<i32>} : memref<64x256xf32, #tpu.memory_space<vmem>>, vector<1x16xf32>,
      %get3A_264 = arith.index_cast %scan3A_59 : i32 to index
      %get3A_265 = arith.constant 192 : index
      %get3A_266 = tpu.vector_load %arg12[%get3A_264, %get3A_265] {strides = array<i32>} : memref<64x256xf32, #tpu.memory_space<vmem>>, vector<1x16xf32>,
      %get3A_267 = vector.shape_cast %get3A_266 : vector<1x16xf32> to vector<16xf32>
      %get3A_268 = arith.index_cast %scan3A_59 : i32 to index
      %get3A_269 = arith.constant 192 : index
      %get3A_270 = tpu.vector_load %arg11[%get3A_268, %get3A_269] {strides = array<i32>} : memref<64x256xf32, #tpu.memory_space<vmem>>, vector<1x16xf32>,
      %get3A_271 = vector.shape_cast %get3A_270 : vector<1x16xf32> to vector<16xf32>
      %sub3A_272 = arith.subf %get3A_267, %get3A_271 : vector<16xf32>
      %mul3A_273 = arith.constant 2.000000e+00 : f32
      %mul3A_274 = vector.broadcast %mul3A_273 : f32 to vector<16xf32>
      %mul3A_275 = arith.mulf %sub3A_272, %mul3A_274 : vector<16xf32>
      %swap3A_276 = arith.index_cast %scan3A_59 : i32 to index
      %swap3A_277 = arith.constant 192 : index
      %swap3A_278 = tpu.vector_load %arg13[%swap3A_276, %swap3A_277] {strides = array<i32>} : memref<64x256xf32, #tpu.memory_space<vmem>>, vector<1x16xf32>,
      %swap3A_279 = vector.shape_cast %swap3A_278 : vector<1x16xf32> to vector<16xf32>
      %swap3A_280 = vector.shape_cast %mul3A_275 : vector<16xf32> to vector<1x16xf32>
      tpu.vector_store %arg13[%swap3A_276, %swap3A_277], %swap3A_280 {strides = array<i32>} : memref<64x256xf32, #tpu.memory_space<vmem>>, vector<1x16xf32>,
      %get3A_281 = arith.index_cast %scan3A_59 : i32 to index
      %get3A_282 = arith.constant 208 : index
      %get3A_283 = tpu.vector_load %arg12[%get3A_281, %get3A_282] {strides = array<i32>} : memref<64x256xf32, #tpu.memory_space<vmem>>, vector<1x16xf32>,
      %get3A_284 = vector.shape_cast %get3A_283 : vector<1x16xf32> to vector<16xf32>
      %get3A_285 = arith.index_cast %scan3A_59 : i32 to index
      %get3A_286 = arith.constant 208 : index
      %get3A_287 = tpu.vector_load %arg11[%get3A_285, %get3A_286] {strides = array<i32>} : memref<64x256xf32, #tpu.memory_space<vmem>>, vector<1x16xf32>,
      %get3A_288 = vector.shape_cast %get3A_287 : vector<1x16xf32> to vector<16xf32>
      %sub3A_289 = arith.subf %get3A_284, %get3A_288 : vector<16xf32>
      %mul3A_290 = arith.constant 2.000000e+00 : f32
      %mul3A_291 = vector.broadcast %mul3A_290 : f32 to vector<16xf32>
      %mul3A_292 = arith.mulf %sub3A_289, %mul3A_291 : vector<16xf32>
      %swap3A_293 = arith.index_cast %scan3A_59 : i32 to index
      %swap3A_294 = arith.constant 208 : index
      %swap3A_295 = tpu.vector_load %arg13[%swap3A_293, %swap3A_294] {strides = array<i32>} : memref<64x256xf32, #tpu.memory_space<vmem>>, vector<1x16xf32>,
      %swap3A_296 = vector.shape_cast %swap3A_295 : vector<1x16xf32> to vector<16xf32>
      %swap3A_297 = vector.shape_cast %mul3A_292 : vector<16xf32> to vector<1x16xf32>
      tpu.vector_store %arg13[%swap3A_293, %swap3A_294], %swap3A_297 {strides = array<i32>} : memref<64x256xf32, #tpu.memory_space<vmem>>, vector<1x16xf32>,
      %get3A_298 = arith.index_cast %scan3A_59 : i32 to index
      %get3A_299 = arith.constant 224 : index
      %get3A_300 = tpu.vector_load %arg12[%get3A_298, %get3A_299] {strides = array<i32>} : memref<64x256xf32, #tpu.memory_space<vmem>>, vector<1x16xf32>,
      %get3A_301 = vector.shape_cast %get3A_300 : vector<1x16xf32> to vector<16xf32>
      %get3A_302 = arith.index_cast %scan3A_59 : i32 to index
      %get3A_303 = arith.constant 224 : index
      %get3A_304 = tpu.vector_load %arg11[%get3A_302, %get3A_303] {strides = array<i32>} : memref<64x256xf32, #tpu.memory_space<vmem>>, vector<1x16xf32>,
      %get3A_305 = vector.shape_cast %get3A_304 : vector<1x16xf32> to vector<16xf32>
      %sub3A_306 = arith.subf %get3A_301, %get3A_305 : vector<16xf32>
      %mul3A_307 = arith.constant 2.000000e+00 : f32
      %mul3A_308 = vector.broadcast %mul3A_307 : f32 to vector<16xf32>
      %mul3A_309 = arith.mulf %sub3A_306, %mul3A_308 : vector<16xf32>
      %swap3A_310 = arith.index_cast %scan3A_59 : i32 to index
      %swap3A_311 = arith.constant 224 : index
      %swap3A_312 = tpu.vector_load %arg13[%swap3A_310, %swap3A_311] {strides = array<i32>} : memref<64x256xf32, #tpu.memory_space<vmem>>, vector<1x16xf32>,
      %swap3A_313 = vector.shape_cast %swap3A_312 : vector<1x16xf32> to vector<16xf32>
      %swap3A_314 = vector.shape_cast %mul3A_309 : vector<16xf32> to vector<1x16xf32>
      tpu.vector_store %arg13[%swap3A_310, %swap3A_311], %swap3A_314 {strides = array<i32>} : memref<64x256xf32, #tpu.memory_space<vmem>>, vector<1x16xf32>,
      %get3A_315 = arith.index_cast %scan3A_59 : i32 to index
      %get3A_316 = arith.constant 240 : index
      %get3A_317 = tpu.vector_load %arg12[%get3A_315, %get3A_316] {strides = array<i32>} : memref<64x256xf32, #tpu.memory_space<vmem>>, vector<1x16xf32>,
      %get3A_318 = vector.shape_cast %get3A_317 : vector<1x16xf32> to vector<16xf32>
      %get3A_319 = arith.index_cast %scan3A_59 : i32 to index
      %get3A_320 = arith.constant 240 : index
      %get3A_321 = tpu.vector_load %arg11[%get3A_319, %get3A_320] {strides = array<i32>} : memref<64x256xf32, #tpu.memory_space<vmem>>, vector<1x16xf32>,
      %get3A_322 = vector.shape_cast %get3A_321 : vector<1x16xf32> to vector<16xf32>
      %sub3A_323 = arith.subf %get3A_318, %get3A_322 : vector<16xf32>
      %mul3A_324 = arith.constant 2.000000e+00 : f32
      %mul3A_325 = vector.broadcast %mul3A_324 : f32 to vector<16xf32>
      %mul3A_326 = arith.mulf %sub3A_323, %mul3A_325 : vector<16xf32>
      %swap3A_327 = arith.index_cast %scan3A_59 : i32 to index
      %swap3A_328 = arith.constant 240 : index
      %swap3A_329 = tpu.vector_load %arg13[%swap3A_327, %swap3A_328] {strides = array<i32>} : memref<64x256xf32, #tpu.memory_space<vmem>>, vector<1x16xf32>,
      %swap3A_330 = vector.shape_cast %swap3A_329 : vector<1x16xf32> to vector<16xf32>
      %swap3A_331 = vector.shape_cast %mul3A_326 : vector<16xf32> to vector<1x16xf32>
      tpu.vector_store %arg13[%swap3A_327, %swap3A_328], %swap3A_331 {strides = array<i32>} : memref<64x256xf32, #tpu.memory_space<vmem>>, vector<1x16xf32>,
    }
    %scan3A_58 = arith.constant 64 : i32
    "tpu.region"() ({
      %run_scoped3A = tpu.sem_alloc : memref<!tpu.dma_semaphore, #tpu.memory_space<semaphore_mem>>
      %dma_start3A_59 = arith.constant 0 : i32
      %dma_start3A_60 = tpu.memref_slice %arg8[%mul3A_2, %dma_start3A_59] : memref<2048x256xf32, #tpu.memory_space<hbm>> -> memref<64x256xf32, #tpu.memory_space<hbm>>
      %dma_start3A_61 = arith.constant 0 : i32
      %dma_start3A_62 = tpu.memref_slice %arg8[%mul3A_2, %dma_start3A_61] : memref<2048x256xf32, #tpu.memory_space<hbm>> -> memref<64x256xf32, #tpu.memory_space<hbm>>
      tpu.enqueue_dma source(%arg13 : memref<64x256xf32, #tpu.memory_space<vmem>>) target(%dma_start3A_62 : memref<64x256xf32, #tpu.memory_space<hbm>>) target_semaphore(%run_scoped3A : memref<!tpu.dma_semaphore, #tpu.memory_space<semaphore_mem>>)
      %dma_wait3A_63 = arith.constant 0 : i32
      %dma_wait3A_64 = tpu.memref_slice %arg8[%mul3A_2, %dma_wait3A_63] : memref<2048x256xf32, #tpu.memory_space<hbm>> -> memref<64x256xf32, #tpu.memory_space<hbm>>
      %dma_wait3A_65 = arith.constant 0 : i32
      %dma_wait3A_66 = tpu.memref_slice %arg8[%mul3A_2, %dma_wait3A_65] : memref<2048x256xf32, #tpu.memory_space<hbm>> -> memref<64x256xf32, #tpu.memory_space<hbm>>
      tpu.wait_dma2 semaphore(%run_scoped3A : memref<!tpu.dma_semaphore, #tpu.memory_space<semaphore_mem>>) src(%arg13 : memref<64x256xf32, #tpu.memory_space<vmem>>) dst(%dma_wait3A_66 : memref<64x256xf32, #tpu.memory_space<hbm>>)
      tpu.yield
    }) : () -> ()
    return
  }
}

module attributes {stable_mosaic.version = 14 : i64} {
  func.func @_nn_body(%arg0: i32, %arg1: memref<2048x256xf32, #tpu.memory_space<vmem>>, %arg2: memref<2048x1xf32, #tpu.memory_space<vmem>>, %arg3: memref<1x1x2048xf32, #tpu.memory_space<vmem>>, %arg4: memref<1x1x2048xf32, #tpu.memory_space<vmem>>, %arg5: memref<2048x256xf32, #tpu.memory_space<vmem>>, %arg6: memref<2048x1xf32, #tpu.memory_space<vmem>>, %arg7: memref<2048x1xi32, #tpu.memory_space<vmem>>) attributes {dimension_semantics = [#tpu.dimension_semantics<arbitrary>], iteration_bounds = array<i64: 1>, scalar_prefetch = 0 : i64, scratch_operands = 0 : i64, tpu.core_type = #tpu.core_type<tc>, window_params = [{pipeline_mode = #tpu.pipeline_mode<synchronous>, transform_indices = @transform_0, window_bounds = array<i64: 2048, 256>}, {pipeline_mode = #tpu.pipeline_mode<synchronous>, transform_indices = @transform_1, window_bounds = array<i64: 2048, 1>}, {transform_indices = @transform_2, window_bounds = array<i64: 1, 1, 2048>}, {pipeline_mode = #tpu.pipeline_mode<synchronous>, transform_indices = @transform_3, window_bounds = array<i64: 1, 1, 2048>}, {transform_indices = @transform_4, window_bounds = array<i64: 2048, 256>}, {pipeline_mode = #tpu.pipeline_mode<synchronous>, transform_indices = @transform_5, window_bounds = array<i64: 2048, 1>}, {pipeline_mode = #tpu.pipeline_mode<synchronous>, transform_indices = @transform_6, window_bounds = array<i64: 2048, 1>}]} {
    %get3A = arith.constant 0 : index
    %get3A_0 = arith.constant 0 : index
    %get3A_1 = vector.load %arg5[%get3A, %get3A_0] : memref<2048x256xf32, #tpu.memory_space<vmem>>, vector<2048x256xf32>
    %get3A_2 = arith.constant 0 : index
    %get3A_3 = arith.constant 0 : index
    %get3A_4 = arith.constant 0 : index
    %get3A_5 = vector.load %arg3[%get3A_2, %get3A_3, %get3A_4] : memref<1x1x2048xf32, #tpu.memory_space<vmem>>, vector<1x1x2048xf32>
    %get3A_6 = vector.shape_cast %get3A_5 : vector<1x1x2048xf32> to vector<1x2048xf32>
    %get3A_7 = arith.constant 0 : index
    %get3A_8 = arith.constant 0 : index
    %get3A_9 = vector.load %arg1[%get3A_7, %get3A_8] : memref<2048x256xf32, #tpu.memory_space<vmem>>, vector<2048x256xf32>
    %dot_general3A = arith.constant dense<0.000000e+00> : vector<2048x2048xf32>
    %dot_general3A_10 = tpu.matmul %get3A_9, %get3A_1, %dot_general3A {dimension_numbers = #tpu.dot_dimension_numbers<[1], [1], [0], [0], [0, 0, 1, 0], [], []>, transpose_lhs_hint = false} : vector<2048x256xf32>, vector<2048x256xf32>, vector<2048x2048xf32> -> vector<2048x2048xf32>
    %get3A_11 = arith.constant 0 : index
    %get3A_12 = arith.constant 0 : index
    %get3A_13 = vector.load %arg2[%get3A_11, %get3A_12] : memref<2048x1xf32, #tpu.memory_space<vmem>>, vector<2048x1xf32>
    %add3A = vector.broadcast %get3A_13 : vector<2048x1xf32> to vector<2048x2048xf32>
    %add3A_14 = vector.broadcast %get3A_6 : vector<1x2048xf32> to vector<2048x2048xf32>
    %add3A_15 = arith.addf %add3A, %add3A_14 : vector<2048x2048xf32>
    %add3A_16 = arith.addf %add3A_15, %dot_general3A_10 : vector<2048x2048xf32>
    %get3A_17 = arith.constant 0 : index
    %get3A_18 = arith.constant 0 : index
    %get3A_19 = arith.constant 0 : index
    %get3A_20 = vector.load %arg4[%get3A_17, %get3A_18, %get3A_19] : memref<1x1x2048xf32, #tpu.memory_space<vmem>>, vector<1x1x2048xf32>
    %get3A_21 = vector.shape_cast %get3A_20 : vector<1x1x2048xf32> to vector<1x2048xf32>
    %reduce_min3A = arith.constant dense<0x7F800000> : vector<2048xf32>
    %reduce_min3A_22 = vector.multi_reduction <minimumf>, %add3A_16, %reduce_min3A [1] : vector<2048x2048xf32> to vector<2048xf32>
    %broadcast_in_dim3A = vector.shape_cast %reduce_min3A_22 : vector<2048xf32> to vector<2048x1xf32>
    %eq3A = vector.broadcast %broadcast_in_dim3A : vector<2048x1xf32> to vector<2048x2048xf32>
    %eq3A_23 = arith.cmpf oeq, %add3A_16, %eq3A : vector<2048x2048xf32>
    %jit3A = arith.constant 3.000000e+38 : f32
    %broadcast_in_dim3A_24 = vector.shape_cast %get3A_21 : vector<1x2048xf32> to vector<1x2048xf32>
    %broadcast_in_dim3A_25 = vector.broadcast %broadcast_in_dim3A_24 : vector<1x2048xf32> to vector<2048x2048xf32>
    %broadcast_in_dim3A_26 = vector.broadcast %jit3A : f32 to vector<2048x2048xf32>
    %select_n3A = arith.select %eq3A_23, %broadcast_in_dim3A_25, %broadcast_in_dim3A_26 : vector<2048x2048xi1>, vector<2048x2048xf32>
    %reduce_min3A_27 = arith.constant dense<0x7F800000> : vector<2048xf32>
    %reduce_min3A_28 = vector.multi_reduction <minimumf>, %select_n3A, %reduce_min3A_27 [1] : vector<2048x2048xf32> to vector<2048xf32>
    %broadcast_in_dim3A_29 = vector.shape_cast %reduce_min3A_28 : vector<2048xf32> to vector<2048x1xf32>
    %convert_element_type3A = arith.fptosi %broadcast_in_dim3A_29 : vector<2048x1xf32> to vector<2048x1xi32>
    %mul3A = arith.constant 2048 : i32
    %mul3A_30 = arith.muli %arg0, %mul3A : i32
    %add3A_31 = vector.broadcast %mul3A_30 : i32 to vector<2048x1xi32>
    %add3A_32 = arith.addi %convert_element_type3A, %add3A_31 : vector<2048x1xi32>
    %eq3A_33 = arith.constant 0 : i32
    %eq3A_34 = arith.cmpi eq, %arg0, %eq3A_33 : i32
    %get3A_35 = arith.constant 0 : index
    %get3A_36 = arith.constant 0 : index
    %get3A_37 = vector.load %arg6[%get3A_35, %get3A_36] : memref<2048x1xf32, #tpu.memory_space<vmem>>, vector<2048x1xf32>
    %jit3A_38 = arith.constant 0x7F800000 : f32
    %broadcast_in_dim3A_39 = vector.broadcast %jit3A_38 : f32 to vector<2048x1xf32>
    %select_n3A_40 = arith.select %eq3A_34, %broadcast_in_dim3A_39, %get3A_37 : vector<2048x1xf32>
    %eq3A_41 = arith.constant 0 : i32
    %eq3A_42 = arith.cmpi eq, %arg0, %eq3A_41 : i32
    %get3A_43 = arith.constant 0 : index
    %get3A_44 = arith.constant 0 : index
    %get3A_45 = vector.load %arg7[%get3A_43, %get3A_44] : memref<2048x1xi32, #tpu.memory_space<vmem>>, vector<2048x1xi32>
    %jit3A_46 = arith.constant 0 : i32
    %broadcast_in_dim3A_47 = vector.broadcast %jit3A_46 : i32 to vector<2048x1xi32>
    %select_n3A_48 = arith.select %eq3A_42, %broadcast_in_dim3A_47, %get3A_45 : vector<2048x1xi32>
    %lt3A = arith.cmpf olt, %broadcast_in_dim3A, %select_n3A_40 : vector<2048x1xf32>
    %select_n3A_49 = arith.select %lt3A, %broadcast_in_dim3A, %select_n3A_40 : vector<2048x1xi1>, vector<2048x1xf32>
    %swap3A = arith.constant 0 : index
    %swap3A_50 = arith.constant 0 : index
    %swap3A_51 = vector.load %arg6[%swap3A, %swap3A_50] : memref<2048x1xf32, #tpu.memory_space<vmem>>, vector<2048x1xf32>
    tpu.vector_store %arg6[%swap3A, %swap3A_50], %select_n3A_49 {strides = array<i32>} : memref<2048x1xf32, #tpu.memory_space<vmem>>, vector<2048x1xf32>,
    %select_n3A_52 = arith.select %lt3A, %add3A_32, %select_n3A_48 : vector<2048x1xi1>, vector<2048x1xi32>
    %swap3A_53 = arith.constant 0 : index
    %swap3A_54 = arith.constant 0 : index
    %swap3A_55 = vector.load %arg7[%swap3A_53, %swap3A_54] : memref<2048x1xi32, #tpu.memory_space<vmem>>, vector<2048x1xi32>
    tpu.vector_store %arg7[%swap3A_53, %swap3A_54], %select_n3A_52 {strides = array<i32>} : memref<2048x1xi32, #tpu.memory_space<vmem>>, vector<2048x1xi32>,
    return
  }
  func.func @transform_0(%arg0: i32) -> (i32, i32) {
    %c0_i32 = arith.constant 0 : i32
    %c0_i32_0 = arith.constant 0 : i32
    %c0_i32_1 = arith.constant 0 : i32
    return %c0_i32, %c0_i32_0 : i32, i32
  }
  func.func @transform_1(%arg0: i32) -> (i32, i32) {
    %c0_i32 = arith.constant 0 : i32
    %c0_i32_0 = arith.constant 0 : i32
    %c0_i32_1 = arith.constant 0 : i32
    return %c0_i32, %c0_i32_0 : i32, i32
  }
  func.func @transform_2(%arg0: i32) -> (i32, i32, i32) {
    %c0_i32 = arith.constant 0 : i32
    %c0_i32_0 = arith.constant 0 : i32
    %c0_i32_1 = arith.constant 0 : i32
    return %arg0, %c0_i32, %c0_i32_0 : i32, i32, i32
  }
  func.func @transform_3(%arg0: i32) -> (i32, i32, i32) {
    %c0_i32 = arith.constant 0 : i32
    %c0_i32_0 = arith.constant 0 : i32
    %c0_i32_1 = arith.constant 0 : i32
    %c0_i32_2 = arith.constant 0 : i32
    return %c0_i32, %c0_i32_0, %c0_i32_1 : i32, i32, i32
  }
  func.func @transform_4(%arg0: i32) -> (i32, i32) {
    %c0_i32 = arith.constant 0 : i32
    %c0_i32_0 = arith.constant 0 : i32
    return %arg0, %c0_i32 : i32, i32
  }
  func.func @transform_5(%arg0: i32) -> (i32, i32) {
    %c0_i32 = arith.constant 0 : i32
    %c0_i32_0 = arith.constant 0 : i32
    %c0_i32_1 = arith.constant 0 : i32
    return %c0_i32, %c0_i32_0 : i32, i32
  }
  func.func @transform_6(%arg0: i32) -> (i32, i32) {
    %c0_i32 = arith.constant 0 : i32
    %c0_i32_0 = arith.constant 0 : i32
    %c0_i32_1 = arith.constant 0 : i32
    return %c0_i32, %c0_i32_0 : i32, i32
  }
}

module attributes {stable_mosaic.version = 14 : i64} {
  func.func @_nn_body(%arg0: i32, %arg1: memref<2048x256xf32, #tpu.memory_space<vmem>>, %arg2: memref<2048x1xf32, #tpu.memory_space<vmem>>, %arg3: memref<1x1x2048xf32, #tpu.memory_space<vmem>>, %arg4: memref<1x1x2048xf32, #tpu.memory_space<vmem>>, %arg5: memref<2048x256xf32, #tpu.memory_space<vmem>>, %arg6: memref<2048x1xf32, #tpu.memory_space<vmem>>, %arg7: memref<2048x1xi32, #tpu.memory_space<vmem>>) attributes {dimension_semantics = [#tpu.dimension_semantics<arbitrary>], iteration_bounds = array<i64: 24>, scalar_prefetch = 0 : i64, scratch_operands = 0 : i64, tpu.core_type = #tpu.core_type<tc>, window_params = [{pipeline_mode = #tpu.pipeline_mode<synchronous>, transform_indices = @transform_0, window_bounds = array<i64: 2048, 256>}, {pipeline_mode = #tpu.pipeline_mode<synchronous>, transform_indices = @transform_1, window_bounds = array<i64: 2048, 1>}, {transform_indices = @transform_2, window_bounds = array<i64: 1, 1, 2048>}, {pipeline_mode = #tpu.pipeline_mode<synchronous>, transform_indices = @transform_3, window_bounds = array<i64: 1, 1, 2048>}, {transform_indices = @transform_4, window_bounds = array<i64: 2048, 256>}, {pipeline_mode = #tpu.pipeline_mode<synchronous>, transform_indices = @transform_5, window_bounds = array<i64: 2048, 1>}, {pipeline_mode = #tpu.pipeline_mode<synchronous>, transform_indices = @transform_6, window_bounds = array<i64: 2048, 1>}]} {
    %get3A = arith.constant 0 : index
    %get3A_0 = arith.constant 0 : index
    %get3A_1 = vector.load %arg5[%get3A, %get3A_0] : memref<2048x256xf32, #tpu.memory_space<vmem>>, vector<2048x256xf32>
    %iota3A = tpu.iota {dimensions = array<i32: 0>} : vector<2048x1xi32>
    %mul3A = arith.constant 2048 : i32
    %mul3A_2 = arith.muli %arg0, %mul3A : i32
    %add3A = vector.broadcast %mul3A_2 : i32 to vector<2048x1xi32>
    %add3A_3 = arith.addi %iota3A, %add3A : vector<2048x1xi32>
    %lt3A = arith.constant 47952 : i32
    %lt3A_4 = vector.broadcast %lt3A : i32 to vector<2048x1xi32>
    %lt3A_5 = arith.cmpi slt, %add3A_3, %lt3A_4 : vector<2048x1xi32>
    %jit3A = arith.constant 0.000000e+00 : f32
    %broadcast_in_dim3A = vector.shape_cast %lt3A_5 : vector<2048x1xi1> to vector<2048x1xi1>
    %broadcast_in_dim3A_6 = vector.broadcast %broadcast_in_dim3A : vector<2048x1xi1> to vector<2048x256xi1>
    %broadcast_in_dim3A_7 = vector.broadcast %jit3A : f32 to vector<2048x256xf32>
    %select_n3A = arith.select %broadcast_in_dim3A_6, %get3A_1, %broadcast_in_dim3A_7 : vector<2048x256xi1>, vector<2048x256xf32>
    %get3A_8 = arith.constant 0 : index
    %get3A_9 = arith.constant 0 : index
    %get3A_10 = arith.constant 0 : index
    %get3A_11 = vector.load %arg3[%get3A_8, %get3A_9, %get3A_10] : memref<1x1x2048xf32, #tpu.memory_space<vmem>>, vector<1x1x2048xf32>
    %get3A_12 = vector.shape_cast %get3A_11 : vector<1x1x2048xf32> to vector<1x2048xf32>
    %get3A_13 = arith.constant 0 : index
    %get3A_14 = arith.constant 0 : index
    %get3A_15 = vector.load %arg1[%get3A_13, %get3A_14] : memref<2048x256xf32, #tpu.memory_space<vmem>>, vector<2048x256xf32>
    %dot_general3A = arith.constant dense<0.000000e+00> : vector<2048x2048xf32>
    %dot_general3A_16 = tpu.matmul %get3A_15, %select_n3A, %dot_general3A {dimension_numbers = #tpu.dot_dimension_numbers<[1], [1], [0], [0], [0, 0, 1, 0], [], []>, transpose_lhs_hint = false} : vector<2048x256xf32>, vector<2048x256xf32>, vector<2048x2048xf32> -> vector<2048x2048xf32>
    %get3A_17 = arith.constant 0 : index
    %get3A_18 = arith.constant 0 : index
    %get3A_19 = vector.load %arg2[%get3A_17, %get3A_18] : memref<2048x1xf32, #tpu.memory_space<vmem>>, vector<2048x1xf32>
    %add3A_20 = vector.broadcast %get3A_19 : vector<2048x1xf32> to vector<2048x2048xf32>
    %add3A_21 = vector.broadcast %get3A_12 : vector<1x2048xf32> to vector<2048x2048xf32>
    %add3A_22 = arith.addf %add3A_20, %add3A_21 : vector<2048x2048xf32>
    %add3A_23 = arith.addf %add3A_22, %dot_general3A_16 : vector<2048x2048xf32>
    %get3A_24 = arith.constant 0 : index
    %get3A_25 = arith.constant 0 : index
    %get3A_26 = arith.constant 0 : index
    %get3A_27 = vector.load %arg4[%get3A_24, %get3A_25, %get3A_26] : memref<1x1x2048xf32, #tpu.memory_space<vmem>>, vector<1x1x2048xf32>
    %get3A_28 = vector.shape_cast %get3A_27 : vector<1x1x2048xf32> to vector<1x2048xf32>
    %reduce_min3A = arith.constant dense<0x7F800000> : vector<2048xf32>
    %reduce_min3A_29 = vector.multi_reduction <minimumf>, %add3A_23, %reduce_min3A [1] : vector<2048x2048xf32> to vector<2048xf32>
    %broadcast_in_dim3A_30 = vector.shape_cast %reduce_min3A_29 : vector<2048xf32> to vector<2048x1xf32>
    %eq3A = vector.broadcast %broadcast_in_dim3A_30 : vector<2048x1xf32> to vector<2048x2048xf32>
    %eq3A_31 = arith.cmpf oeq, %add3A_23, %eq3A : vector<2048x2048xf32>
    %jit3A_32 = arith.constant 3.000000e+38 : f32
    %broadcast_in_dim3A_33 = vector.shape_cast %get3A_28 : vector<1x2048xf32> to vector<1x2048xf32>
    %broadcast_in_dim3A_34 = vector.broadcast %broadcast_in_dim3A_33 : vector<1x2048xf32> to vector<2048x2048xf32>
    %broadcast_in_dim3A_35 = vector.broadcast %jit3A_32 : f32 to vector<2048x2048xf32>
    %select_n3A_36 = arith.select %eq3A_31, %broadcast_in_dim3A_34, %broadcast_in_dim3A_35 : vector<2048x2048xi1>, vector<2048x2048xf32>
    %reduce_min3A_37 = arith.constant dense<0x7F800000> : vector<2048xf32>
    %reduce_min3A_38 = vector.multi_reduction <minimumf>, %select_n3A_36, %reduce_min3A_37 [1] : vector<2048x2048xf32> to vector<2048xf32>
    %broadcast_in_dim3A_39 = vector.shape_cast %reduce_min3A_38 : vector<2048xf32> to vector<2048x1xf32>
    %convert_element_type3A = arith.fptosi %broadcast_in_dim3A_39 : vector<2048x1xf32> to vector<2048x1xi32>
    %mul3A_40 = arith.constant 2048 : i32
    %mul3A_41 = arith.muli %arg0, %mul3A_40 : i32
    %add3A_42 = vector.broadcast %mul3A_41 : i32 to vector<2048x1xi32>
    %add3A_43 = arith.addi %convert_element_type3A, %add3A_42 : vector<2048x1xi32>
    %eq3A_44 = arith.constant 0 : i32
    %eq3A_45 = arith.cmpi eq, %arg0, %eq3A_44 : i32
    %get3A_46 = arith.constant 0 : index
    %get3A_47 = arith.constant 0 : index
    %get3A_48 = vector.load %arg6[%get3A_46, %get3A_47] : memref<2048x1xf32, #tpu.memory_space<vmem>>, vector<2048x1xf32>
    %jit3A_49 = arith.constant 0x7F800000 : f32
    %broadcast_in_dim3A_50 = vector.broadcast %jit3A_49 : f32 to vector<2048x1xf32>
    %select_n3A_51 = arith.select %eq3A_45, %broadcast_in_dim3A_50, %get3A_48 : vector<2048x1xf32>
    %eq3A_52 = arith.constant 0 : i32
    %eq3A_53 = arith.cmpi eq, %arg0, %eq3A_52 : i32
    %get3A_54 = arith.constant 0 : index
    %get3A_55 = arith.constant 0 : index
    %get3A_56 = vector.load %arg7[%get3A_54, %get3A_55] : memref<2048x1xi32, #tpu.memory_space<vmem>>, vector<2048x1xi32>
    %jit3A_57 = arith.constant 0 : i32
    %broadcast_in_dim3A_58 = vector.broadcast %jit3A_57 : i32 to vector<2048x1xi32>
    %select_n3A_59 = arith.select %eq3A_53, %broadcast_in_dim3A_58, %get3A_56 : vector<2048x1xi32>
    %lt3A_60 = arith.cmpf olt, %broadcast_in_dim3A_30, %select_n3A_51 : vector<2048x1xf32>
    %select_n3A_61 = arith.select %lt3A_60, %broadcast_in_dim3A_30, %select_n3A_51 : vector<2048x1xi1>, vector<2048x1xf32>
    %swap3A = arith.constant 0 : index
    %swap3A_62 = arith.constant 0 : index
    %swap3A_63 = vector.load %arg6[%swap3A, %swap3A_62] : memref<2048x1xf32, #tpu.memory_space<vmem>>, vector<2048x1xf32>
    tpu.vector_store %arg6[%swap3A, %swap3A_62], %select_n3A_61 {strides = array<i32>} : memref<2048x1xf32, #tpu.memory_space<vmem>>, vector<2048x1xf32>,
    %select_n3A_64 = arith.select %lt3A_60, %add3A_43, %select_n3A_59 : vector<2048x1xi1>, vector<2048x1xi32>
    %swap3A_65 = arith.constant 0 : index
    %swap3A_66 = arith.constant 0 : index
    %swap3A_67 = vector.load %arg7[%swap3A_65, %swap3A_66] : memref<2048x1xi32, #tpu.memory_space<vmem>>, vector<2048x1xi32>
    tpu.vector_store %arg7[%swap3A_65, %swap3A_66], %select_n3A_64 {strides = array<i32>} : memref<2048x1xi32, #tpu.memory_space<vmem>>, vector<2048x1xi32>,
    return
  }
  func.func @transform_0(%arg0: i32) -> (i32, i32) {
    %c0_i32 = arith.constant 0 : i32
    %c0_i32_0 = arith.constant 0 : i32
    %c0_i32_1 = arith.constant 0 : i32
    return %c0_i32, %c0_i32_0 : i32, i32
  }
  func.func @transform_1(%arg0: i32) -> (i32, i32) {
    %c0_i32 = arith.constant 0 : i32
    %c0_i32_0 = arith.constant 0 : i32
    %c0_i32_1 = arith.constant 0 : i32
    return %c0_i32, %c0_i32_0 : i32, i32
  }
  func.func @transform_2(%arg0: i32) -> (i32, i32, i32) {
    %c0_i32 = arith.constant 0 : i32
    %c0_i32_0 = arith.constant 0 : i32
    %c0_i32_1 = arith.constant 0 : i32
    return %arg0, %c0_i32, %c0_i32_0 : i32, i32, i32
  }
  func.func @transform_3(%arg0: i32) -> (i32, i32, i32) {
    %c0_i32 = arith.constant 0 : i32
    %c0_i32_0 = arith.constant 0 : i32
    %c0_i32_1 = arith.constant 0 : i32
    %c0_i32_2 = arith.constant 0 : i32
    return %c0_i32, %c0_i32_0, %c0_i32_1 : i32, i32, i32
  }
  func.func @transform_4(%arg0: i32) -> (i32, i32) {
    %c0_i32 = arith.constant 0 : i32
    %c0_i32_0 = arith.constant 0 : i32
    return %arg0, %c0_i32 : i32, i32
  }
  func.func @transform_5(%arg0: i32) -> (i32, i32) {
    %c0_i32 = arith.constant 0 : i32
    %c0_i32_0 = arith.constant 0 : i32
    %c0_i32_1 = arith.constant 0 : i32
    return %c0_i32, %c0_i32_0 : i32, i32
  }
  func.func @transform_6(%arg0: i32) -> (i32, i32) {
    %c0_i32 = arith.constant 0 : i32
    %c0_i32_0 = arith.constant 0 : i32
    %c0_i32_1 = arith.constant 0 : i32
    return %c0_i32, %c0_i32_0 : i32, i32
  }
}

</mosaic_0001>

<sc_bundles>
// kernel: kernel.5.cloned.1.call-start
scs
__scs_entry_jumppad:
0x0: {  	(pc) =	sbr.rel $0x88, $3  }
0x1: {  	(tag) =	ssettag $0x0;
	lr =	simm.s32 $0x1  }
0x2: {  	[smem:$0x3F9E] =	sst lr;
	_ =	strace $0xD0000000  }
0x3: {  	_ = 	snop  }
0x4: {  	_ = 	snop  }
0x5: {  	_ = 	snop  }
0x6: {  	_ = 	snop  }
0x7: {  	_ = 	snop  }
__scs_overlays_trampoline_lowered:
0x8: {  	[smem:$0x3FAD] =	sst s0  }
0x9: {  	[smem:$0x3FAE] =	sst s1  }
0xa: {  	[smem:$0x3FAF] =	sst s2  }
0xb: {  	[smem:$0x3FB0] =	sst s3  }
0xc: {  	[smem:$0x3FB1] =	sst s4  }
0xd: {  	[smem:$0x3FB2] =	sst s5  }
0xe: {  	[smem:$0x3FB3] =	sst s6  }
0xf: {  	[smem:$0x3FB4] =	sst s7  }
0x10: {  	[smem:$0x3FB5] =	sst s8  }
0x11: {  	[smem:$0x3FB6] =	sst s9;
	s0 =	simm.s32 @!p0 $0x0  }
0x12: {  	s1 =	sld [smem:$0x3F9C];
	s0 =	simm.s32 @p0 $0x1  }
0x13: {  	[smem:$0x3FB7] =	sst s0;
	s0 =	simm.s32 @!p1 $0x0  }
0x14: {  	s2 =	sld [smem:$0x3F9B];
	s0 =	simm.s32 @p1 $0x1  }
0x15: {  	[smem:$0x3FB8] =	sst s0;
	s0 =	simm.s32 @!p2 $0x0  }
0x16: {  	s3 =	sld [smem:$0x3FDB];
	s0 =	simm.s32 @p2 $0x1  }
0x17: {  	s4 =	simm.s32 $0x1BF5;
	[smem:$0x3FBA] =	sst s0  }
0x18: {  	s0 =	sld [smem:$0x3F9D];
	_ =	swait.ge [sflag:s4], $0x0  }
0x19: {  	s7 =	sld [smem:$0x3F9E]  }
0x1a: {  	s8 =	sadd.s32 $0xFFFFE003, lr  }
0x1b: {  	s9 =	sadd.s32 $0xFFFFFEF7, lr;
	s5 =	simm.s32 $0xFFFFFFFF;
	p2 =	slt.u32 s8, $0xFFFFF086  }
0x1c: {  	p1 =	slt.u32 s9, $0xF7A;
	s5 =	simm.s32 @!p2 $0x0  }
0x1d: {  	s5 =	simm.s32 @p1 $0x1;
	p0 =	seq.s32 s7, s2  }
0x1e: {  	s7 =	smul.u32 @!p0 $0xF7A, s2;
	p2 =	seq.s32 @!p0 s5, $0x0  }
0x1f: {  	s9 =	smul.u32 $0xF7A, s1;
	s8 =	simm.s32 @!p0 $0x1BF5;
	p2 =	por !p2, p0  }
0x20: {  	[sflag:s8] =	ssyncset.s32 @!p0 $0xFFFFF086;
	s6 =	sadd.s32 @!p0 s3, s7;
	s7 =	simm.s32 @!p0 $0x108  }
0x21: {  	s3 =	sadd.s32 s3, s9;
	s6 =	sadd.s32 @!p0 $0x88, s6;
	s7 =	simm.s32 @p2 $0x1082  }
0x22: {  	[simem:s7], [sflag:s8] =	dma.local @!p0 [hbm:s6], $0xF7A  }
0x23: {  	s9 =	sor.u32 $0xD0000000, s2;
	s6 =	simm.s32 $0x108;
	_ =	swait.ge @!p0 [sflag:s8], $0x0  }
0x24: {  	s3 =	sadd.s32 $0x88, s3;
	s6 =	simm.s32 @!p1 $0x1082;
	[sflag:s4] =	ssyncset.s32 $0xFFFFF086  }
0x25: {  	[simem:s6], [sflag:s4] =	dma.local [hbm:s3], $0xF7A  }
0x26: {  	[smem:$0x3F9E] =	sst s1;
	(tag) =	ssettag s2;
	_ =	strace s9  }
0x27: {  	s1 =	sld [smem:$0x3FAE]  }
0x28: {  	s2 =	sld [smem:$0x3FAF]  }
0x29: {  	s4 =	sld [smem:$0x3FB1]  }
0x2a: {  	p0 =	seq.s32 s5, $0x0;
	s5 =	sld [smem:$0x3FB2]  }
0x2b: {  	s6 =	sld [smem:$0x3FB3]  }
0x2c: {  	s7 =	sld [smem:$0x3FB4]  }
0x2d: {  	s3 =	simm.s32 $0x108;
	s8 =	sld [smem:$0x3FB5]  }
0x2e: {  	s3 =	simm.s32 @!p0 $0x1082;
	s9 =	sld [smem:$0x3FB6]  }
0x2f: {  	lr =	sadd.s32 s0, s3;
	s0 =	sld [smem:$0x3FAD]  }
0x30: {  	s3 =	sld [smem:$0x3FB0]  }
0x31: {  	[smem:$0x3FB9] =	sst s10  }
0x32: {  	s10 =	sld [smem:$0x3FB7];
	_ =	sdelay $0x3  }
0x33: {  	p0 =	seq.s32 s10, $0x1;
	s10 =	sld [smem:$0x3FB9];
	_ =	sdelay $0x3  }
0x34: {  	[smem:$0x3FB9] =	sst s10  }
0x35: {  	s10 =	sld [smem:$0x3FB8];
	_ =	sdelay $0x3  }
0x36: {  	p1 =	seq.s32 s10, $0x1;
	s10 =	sld [smem:$0x3FB9];
	_ =	sdelay $0x3  }
0x37: {  	[smem:$0x3FB9] =	sst s10  }
0x38: {  	s10 =	sld [smem:$0x3FBA]  }
0x39: {  	_ = 	snop;
	(pc) =	sbr.ind lr, $3  }
0x3a: {  	_ = 	snop  }
0x3b: {  	_ = 	snop  }
0x3c: {  	p2 =	seq.s32 s10, $0x1;
	s10 =	sld [smem:$0x3FB9]  }
0x3d: {  	_ =	shalt  }
0x3e: {  	_ =	shalt  }
0x3f: {  	_ =	shalt  }
0x40: {  	_ =	shalt  }
0x41: {  	_ =	shalt  }
0x42: {  	_ =	shalt  }
0x43: {  	_ =	shalt  }
0x44: {  	_ =	shalt  }
0x45: {  	_ =	shalt  }
0x46: {  	_ =	shalt  }
0x47: {  	_ =	shalt  }
0x48: {  	_ =	shalt  }
0x49: {  	_ =	shalt  }
0x4a: {  	_ =	shalt  }
0x4b: {  	_ =	shalt  }
0x4c: {  	_ =	shalt  }
0x4d: {  	_ =	shalt  }
0x4e: {  	_ =	shalt  }
0x4f: {  	_ =	shalt  }
0x50: {  	_ =	shalt  }
0x51: {  	_ =	shalt  }
0x52: {  	_ =	shalt  }
0x53: {  	_ =	shalt  }
0x54: {  	_ =	shalt  }
0x55: {  	_ =	shalt  }
0x56: {  	_ =	shalt  }
0x57: {  	_ =	shalt  }
0x58: {  	_ =	shalt  }
0x59: {  	_ =	shalt  }
0x5a: {  	_ =	shalt  }
0x5b: {  	_ =	shalt  }
0x5c: {  	_ =	shalt  }
0x5d: {  	_ =	shalt  }
0x5e: {  	_ =	shalt  }
0x5f: {  	_ =	shalt  }
0x60: {  	_ =	shalt  }
0x61: {  	_ =	shalt  }
0x62: {  	_ =	shalt  }
0x63: {  	_ =	shalt  }
0x64: {  	_ =	shalt  }
0x65: {  	_ =	shalt  }
0x66: {  	_ =	shalt  }
0x67: {  	_ =	shalt  }
0x68: {  	_ =	shalt  }
0x69: {  	_ =	shalt  }
0x6a: {  	_ =	shalt  }
0x6b: {  	_ =	shalt  }
0x6c: {  	_ =	shalt  }
0x6d: {  	_ =	shalt  }
0x6e: {  	_ =	shalt  }
0x6f: {  	_ =	shalt  }
0x70: {  	_ =	shalt  }
0x71: {  	_ =	shalt  }
0x72: {  	_ =	shalt  }
0x73: {  	_ =	shalt  }
0x74: {  	_ =	shalt  }
0x75: {  	_ =	shalt  }
0x76: {  	_ =	shalt  }
0x77: {  	_ =	shalt  }
0x78: {  	_ =	shalt  }
0x79: {  	_ =	shalt  }
0x7a: {  	_ =	shalt  }
0x7b: {  	_ =	shalt  }
0x7c: {  	_ =	shalt  }
0x7d: {  	_ =	shalt  }
0x7e: {  	_ =	shalt  }
0x7f: {  	_ =	shalt  }
0x80: {  	_ =	shalt  }
0x81: {  	_ =	shalt  }
0x82: {  	_ =	shalt  }
0x83: {  	_ =	shalt  }
0x84: {  	_ =	shalt  }
0x85: {  	_ =	shalt  }
0x86: {  	_ =	shalt  }
0x87: {  	_ =	shalt  }
.Lfunc_end0:
.L_simem_size_0:
called_computation_lowered:
.L_overlay_start_0:
0x88: {  	s2 =	sld [smem:$0x3FD9]  }
0x89: {  	s3 =	sld [smem:$0x3FFE];
	_ =	sdelay $0x1  }
0x8a: {  	s1 =	srdreg.scid  }
0x8b: {  	s0 =	sand.u32 $0x1, s1  }
0x8c: {  	s14 =	sshll.u32 s0, $0xA;
	s2 =	sadd.s32 s3, s2  }
0x8d: {  	s2 =	sadd.s32 s2, s14  }
0x8e: {  	[smem:$0x3FC5] =	sst s2  }
0x8f: {  	_ = 	snop  }
0x90: {  	s2 =	sld [smem:$0x3FD0];
	_ =	sdelay $0x2  }
0x91: {  	s4 =	simm.s32 $0xA;
	s5 =	simm.s32 $0x10;
	s15 =	sld [smem:$0x3FC8]  }
0x92: {  	[smem:s5], [sflag:s4] =	dma.local [hbm:s2], $0x1  }
0x93: {  	_ =	swait.eq [sflag:s4], $0x1  }
0x94: {  	[sflag:s4] =	ssyncset.done $0x0  }
0x95: {  	s16 =	sld [smem:$0x10];
	[sflag:s4] =	ssyncadd.s32 $0xFFFFFFFF  }
0x96: {  	s17 =	sld [smem:$0x11];
	(tm) =	ssettm $0x1  }
0x97: {  	s18 =	sld [smem:$0x3FFB];
	_ =	sdelay $0x3  }
0x98: {  	_ =	strace s18  }
0x99: {  	s5 =	sld [smem:$0x3FFC];
	_ =	sdelay $0x3  }
0x9a: {  	_ =	strace s5  }
0x9b: {  	s5 =	sld [smem:$0x3FFD];
	_ =	sdelay $0x3  }
0x9c: {  	_ =	strace s5  }
0x9d: {  	_ =	strace $0x8FFFFFFF  }
0x9e: {  	s19 =	sld [smem:$0x3FDB];
	_ =	sdelay $0x1  }
0x9f: {  	s6 =	simm.s32 $_scs_section_size  }
0xa0: {  	s7 =	simm.s32 $_size__tile_overlayer_lowered;
	s8 =	simm.s32 $_tile_overlayer_lowered  }
0xa1: {  	s22 =	simm.s32 $0x1BFF;
	s21 =	sshll.u32 s8, $0x1;
	s5 =	sadd.s32 s6, s19  }
0xa2: {  	s9 =	simm.s32 $0x0;
	s20 =	sshll.u32 s7, $0x1;
	s7 =	sadd.s32 s21, s5  }
0xa3: {  	[timem:s9], [sflag:s22] =	dma.local [hbm:s7], s20  }
0xa4: {  	_ =	swait.ge [sflag:s22], s20  }
0xa5: {  	s6 =	ssub.s32 $0x0, s20;
	[sflag:s22] =	ssyncset.done $0x0  }
0xa6: {  	[sflag:s22] =	ssyncadd.s32 s6;
	_ =	sdelay $0x1  }
0xa7: {  	s23 =	simm.s32 $0x1B8B  }
0xa8: {  	_ =	swait.ge [sflag:s23], $0x1  }
0xa9: {  	[sflag:s23] =	ssyncset.done $0x0  }
0xaa: {  	s25 =	simm.s32 $0x1B8E;
	s24 =	sld [smem:$0x3FFE];
	[sflag:s23] =	ssyncadd.s32 $0xFFFFFFFF  }
0xab: {  	s26 =	simm.s32 $execute0_lowered;
	[smem:$0x3FD2] =	sst s25  }
0xac: {  	s7 =	sshll.u32 s26, $0x1;
	_ =	strace $0x80000046;
	[dreg:$0x1] =	wrdreg $0xFFFFFFFF  }
0xad: {  	s28 =	simm.s32 $_size_execute0_lowered;
	s5 =	sadd.s32 s5, s7;
	[dreg:$0x0] =	wrdreg $0x0  }
0xae: {  	s7 =	sshll.u32 s28, $0x1;
	[dreg:$0x2] =	wrdreg s5  }
0xaf: {  	[dreg:$0x3] =	wrdreg s7  }
0xb0: {  	[dreg:$0x4] =	wrdreg $0xC0  }
0xb1: {  	_ =	task [dreg:s9], $0x5FFFF  }
0xb2: {  	[dreg:$0x1] =	wrdreg $0xFFFFFFFF  }
0xb3: {  	[dreg:$0x0] =	wrdreg $0x60  }
0xb4: {  	[dreg:$0x2] =	wrdreg s15  }
0xb5: {  	[dreg:$0x3] =	wrdreg s24  }
0xb6: {  	[dreg:$0x4] =	wrdreg s16  }
0xb7: {  	[dreg:$0x5] =	wrdreg s17  }
0xb8: {  	[dreg:$0x6] =	wrdreg $0x9  }
0xb9: {  	_ =	task.clear_ibuf [dreg:s9], $0x7FFFF;
	_ =	strace $0x90000046  }
0xba: {  	s29 =	simm.s32 $0x9;
	_ =	strace $0x80000048  }
0xbb: {  	_ =	swait.ge [sflag:s29], $0x1  }
0xbc: {  	[sflag:s29] =	ssyncadd.s32 $0xFFFFFFFF  }
0xbd: {  	_ =	strace $0x90000048  }
0xbe: {  	_ =	sfence  }
0xbf: {  	s30 =	sld [smem:$0x0];
	_ =	sdelay $0x2  }
0xc0: {  	s31 =	sshll.u32 s1, $0xD;
	s1 =	sshrl.u32 s1, $0x2  }
0xc1: {  	s3 =	sand.u32 $0x4000, s31;
	s1 =	sadd.s32 s1, s30  }
0xc2: {  	s0 =	sor.u32 s3, s0;
	s1 =	sshll.u32 s1, $0x11  }
0xc3: {  	s0 =	sor.u32 s1, s0  }
0xc4: {  	s0 =	sadd.s32 $0x8F2B, s0  }
0xc5: {  	[sflag:s0] =	ssyncadd.remote.s32 $0x1  }
0xc6: {  	_ =	sfence.sel $0xFFFF  }
0xc7: {  	[dreg:$0x0] =	wrdreg $0xFFFFFFFF;
	(pc) =	sbr.abs _section_cstart, $3  }
0xc8: {  	[dreg:$0x1] =	wrdreg $0xFFFFFFFF  }
0xc9: {  	_ =	task.clear_ibuf [dreg:s9], $0x2FFFF;
	_ =	strace $0x9FFFFFFF  }
0xca: {  	(tm) =	ssettm $0x7FFFFFFF  }
0xcb: {  	_ =	shalt  }
tec
execute0_lowered:
.L_overlay_start_1:
0x0: {  	(tag) =	ssettag $0x1  }
0x1: {  	s1 =	rddreg [dreg:$0x0]  }
0x2: {  	s0 =	rddreg [dreg:$0x1]  }
0x3: {  	s2 =	srdreg.scid;
	s8 =	rddreg [dreg:$0x2]  }
0x4: {  	s3 =	stileid.u32;
	s9 =	rddreg [dreg:$0x3]  }
0x5: {  	s20 =	simm.s32 $0x3900;
	s21 =	simm.s32 $0x4100;
	s22 =	simm.s32 $0x4900  }
0x6: {  	s23 =	simm.s32 $0x5100;
	s28 =	simm.s32 $0x7100;
	s29 =	simm.s32 $0x7900  }
0x7: {  	s30 =	simm.s32 $0xC100;
	s31 =	simm.s32 $0xC180;
	s12 =	simm.s32 $0x2  }
0x8: {  	s13 =	simm.s32 $0x8100;
	s14 =	simm.s32 $0x0;
	s2 =	sand.u32 $0x1, s2  }
0x9: {  	s4 =	sshll.u32 s3, $0x7;
	s3 =	simm.s32 $0x0;
	s5 =	sshll.u32 s2, $0x6  }
0xa: {  	[smem:$0x7FF] =	sst s3;
	s2 =	ssub.s32 $0x2, s2;
	s10 =	sor.u32 s5, s4  }
0xb: {  	_ =	strace $0x80000047;
	s24 =	sshrl.u32 s2, $0x1;
	s11 =	sshrl.u32 s10, $0x3  }
0xc: {  	s25 =	ssub.s32 s2, s24;
	s26 =	sshll.u32 s10, $0x5;
	s24 =	simm.s32 $0x5900  }
0xd: {  	s2 =	simm.s32 $0xC200;
	s4 =	sadd.s32 s0, s11;
	s8 =	sadd.s32 s8, s11  }
0xe: {  	v2 =	vlaneseq.u32;
	s9 =	sadd.s32 s9, s26;
	s10 =	smax.u32 s25, $0x1;
	s11 =	simm.s32 $0x3  }
0xf: {  	vm0 =	vmmov $0xffff;
	v1 =	vshrl.u32 v2, $0x3;
	s25 =	simm.s32 $0x6100;
	s26 =	simm.s32 $0x6900;
	s0 =	simm.s32 $0x1  }
0x10: {  	v0 =	vand.u32 $0x7, v2;
	v2 =	vor.u32 $0x8, v2;
	v1 =	vmul.u32 $0x8, v1;
	s5 =	sadd.s32 $0x200, s4;
	s6 =	sadd.s32 $0x600, s4;
	s7 =	sadd.s32 $0x400, s4  }
.LBB2_1:
0x11: {  	[tilespmem:s3], [sflag:$0x3] =	stream.linear.gather [hbm4b:s5+s3], $0x40, $0x38;
	[tilespmem:$0xC280] =	vst v63  }
0x12: {  	_ =	swait.ge [sflag:s11], $0x40  }
0x13: {  	[sflag:s11] =	ssyncset.done $0x0  }
0x14: {  	s15 =	simm.s32 $0x80;
	[sflag:s11] =	ssyncadd.s32 $0xFFFFFFC0  }
0x15: {  	[tilespmem:s15], [sflag:$0x3] =	stream.linear.gather [hbm4b:s4+s3], $0x40, $0x38;
	[tilespmem:$0xC280] =	vst v63  }
0x16: {  	_ =	swait.ge [sflag:s11], $0x40  }
0x17: {  	[sflag:s11] =	ssyncset.done $0x0  }
0x18: {  	[sflag:s11] =	ssyncadd.s32 $0xFFFFFFC0  }
0x19: {  	v3 =	vld [tilespmem:$0x0];
	_ =	sdelay $0x4  }
0x1a: {  	v4 =	vshll.u32 v3, $0x1  }
0x1b: {  	v3 =	vand.u32 $0x7, v3;
	v4 =	vand.u32 $0xFFFFFFF0, v4  }
0x1c: {  	v3 =	vor.u32 v3, v4  }
0x1d: {  	v4 =	vperm.xlane v3, v0;
	_ =	sdelay $0x1  }
0x1e: {  	v3 =	vperm.xlane v3, v2;
	v4 =	vadd.s32 v1, v4;
	_ =	sdelay $0x1  }
0x1f: {  	v3 =	vadd.s32 v1, v3;
	_ =	sdelay $0x1  }
0x20: {  	s19 =	simm.s32 $0x100  }
0x21: {  	[tilespmem:s19], [sflag:$0x1] =	stream.indirect_vreg.gather [hbm4b:s1+s3], $0x80, v4, vm0, $0xb8;
	[tilespmem:$0xC280] =	vst v63  }
0x22: {  	s16 =	simm.s32 $0x900  }
0x23: {  	[tilespmem:s16], [sflag:$0x1] =	stream.indirect_vreg.gather [hbm4b:s1+s3], $0x80, v3, vm0, $0xb8;
	[tilespmem:$0xC280] =	vst v63  }
0x24: {  	v3 =	vld [tilespmem:$0x10];
	_ =	sdelay $0x4  }
0x25: {  	v4 =	vshll.u32 v3, $0x1  }
0x26: {  	v3 =	vand.u32 $0x7, v3;
	v4 =	vand.u32 $0xFFFFFFF0, v4  }
0x27: {  	v3 =	vor.u32 v3, v4  }
0x28: {  	v4 =	vperm.xlane v3, v0;
	_ =	sdelay $0x1  }
0x29: {  	v3 =	vperm.xlane v3, v2;
	v4 =	vadd.s32 v1, v4;
	_ =	sdelay $0x1  }
0x2a: {  	v3 =	vadd.s32 v1, v3;
	_ =	sdelay $0x1  }
0x2b: {  	s17 =	simm.s32 $0x1100  }
0x2c: {  	[tilespmem:s17], [sflag:$0x1] =	stream.indirect_vreg.gather [hbm4b:s1+s3], $0x80, v4, vm0, $0xb8;
	[tilespmem:$0xC280] =	vst v63  }
0x2d: {  	s18 =	simm.s32 $0x1900  }
0x2e: {  	[tilespmem:s18], [sflag:$0x1] =	stream.indirect_vreg.gather [hbm4b:s1+s3], $0x80, v3, vm0, $0xb8;
	[tilespmem:$0xC280] =	vst v63  }
0x2f: {  	v3 =	vld [tilespmem:$0x20];
	_ =	sdelay $0x4  }
0x30: {  	v4 =	vshll.u32 v3, $0x1  }
0x31: {  	v3 =	vand.u32 $0x7, v3;
	v4 =	vand.u32 $0xFFFFFFF0, v4  }
0x32: {  	v3 =	vor.u32 v3, v4  }
0x33: {  	v4 =	vperm.xlane v3, v0;
	_ =	sdelay $0x1  }
0x34: {  	v3 =	vperm.xlane v3, v2;
	v4 =	vadd.s32 v1, v4;
	_ =	sdelay $0x1  }
0x35: {  	v3 =	vadd.s32 v1, v3;
	_ =	sdelay $0x1  }
0x36: {  	s19 =	simm.s32 $0x2100  }
0x37: {  	[tilespmem:s19], [sflag:$0x1] =	stream.indirect_vreg.gather [hbm4b:s1+s3], $0x80, v4, vm0, $0xb8;
	[tilespmem:$0xC280] =	vst v63  }
0x38: {  	s16 =	simm.s32 $0x2900  }
0x39: {  	[tilespmem:s16], [sflag:$0x1] =	stream.indirect_vreg.gather [hbm4b:s1+s3], $0x80, v3, vm0, $0xb8;
	[tilespmem:$0xC280] =	vst v63  }
0x3a: {  	v3 =	vld [tilespmem:$0x30];
	_ =	sdelay $0x4  }
0x3b: {  	v4 =	vshll.u32 v3, $0x1  }
0x3c: {  	v3 =	vand.u32 $0x7, v3;
	v4 =	vand.u32 $0xFFFFFFF0, v4  }
0x3d: {  	v3 =	vor.u32 v3, v4  }
0x3e: {  	v4 =	vperm.xlane v3, v0;
	_ =	sdelay $0x1  }
0x3f: {  	v3 =	vperm.xlane v3, v2;
	v4 =	vadd.s32 v1, v4;
	_ =	sdelay $0x1  }
0x40: {  	v3 =	vadd.s32 v1, v3;
	_ =	sdelay $0x1  }
0x41: {  	s17 =	simm.s32 $0x3100  }
0x42: {  	[tilespmem:s17], [sflag:$0x1] =	stream.indirect_vreg.gather [hbm4b:s1+s3], $0x80, v4, vm0, $0xb8;
	[tilespmem:$0xC280] =	vst v63  }
0x43: {  	_ = 	snop  }
0x44: {  	[tilespmem:s20], [sflag:$0x1] =	stream.indirect_vreg.gather [hbm4b:s1+s3], $0x80, v3, vm0, $0xb8;
	[tilespmem:$0xC280] =	vst v63  }
0x45: {  	v3 =	vld [tilespmem:$0x80];
	_ =	sdelay $0x4  }
0x46: {  	v4 =	vshll.u32 v3, $0x1  }
0x47: {  	v3 =	vand.u32 $0x7, v3;
	v4 =	vand.u32 $0xFFFFFFF0, v4  }
0x48: {  	v3 =	vor.u32 v3, v4  }
0x49: {  	v4 =	vperm.xlane v3, v0;
	_ =	sdelay $0x1  }
0x4a: {  	v3 =	vperm.xlane v3, v2;
	v4 =	vadd.s32 v1, v4;
	_ =	sdelay $0x1  }
0x4b: {  	v3 =	vadd.s32 v1, v3;
	_ =	sdelay $0x2  }
0x4c: {  	[tilespmem:s21], [sflag:$0x2] =	stream.indirect_vreg.gather [hbm4b:s1+s3], $0x80, v4, vm0, $0xb8;
	[tilespmem:$0xC280] =	vst v63  }
0x4d: {  	_ = 	snop  }
0x4e: {  	[tilespmem:s22], [sflag:$0x2] =	stream.indirect_vreg.gather [hbm4b:s1+s3], $0x80, v3, vm0, $0xb8;
	[tilespmem:$0xC280] =	vst v63  }
0x4f: {  	v3 =	vld [tilespmem:$0x90];
	_ =	sdelay $0x4  }
0x50: {  	v4 =	vshll.u32 v3, $0x1  }
0x51: {  	v3 =	vand.u32 $0x7, v3;
	v4 =	vand.u32 $0xFFFFFFF0, v4  }
0x52: {  	v3 =	vor.u32 v3, v4  }
0x53: {  	v4 =	vperm.xlane v3, v0;
	_ =	sdelay $0x1  }
0x54: {  	v3 =	vperm.xlane v3, v2;
	v4 =	vadd.s32 v1, v4;
	_ =	sdelay $0x1  }
0x55: {  	v3 =	vadd.s32 v1, v3;
	_ =	sdelay $0x2  }
0x56: {  	[tilespmem:s23], [sflag:$0x2] =	stream.indirect_vreg.gather [hbm4b:s1+s3], $0x80, v4, vm0, $0xb8;
	[tilespmem:$0xC280] =	vst v63  }
0x57: {  	_ = 	snop  }
0x58: {  	[tilespmem:s24], [sflag:$0x2] =	stream.indirect_vreg.gather [hbm4b:s1+s3], $0x80, v3, vm0, $0xb8;
	[tilespmem:$0xC280] =	vst v63  }
0x59: {  	v3 =	vld [tilespmem:$0xA0];
	_ =	sdelay $0x4  }
0x5a: {  	v4 =	vshll.u32 v3, $0x1  }
0x5b: {  	v3 =	vand.u32 $0x7, v3;
	v4 =	vand.u32 $0xFFFFFFF0, v4  }
0x5c: {  	v3 =	vor.u32 v3, v4  }
0x5d: {  	v4 =	vperm.xlane v3, v0;
	_ =	sdelay $0x1  }
0x5e: {  	v3 =	vperm.xlane v3, v2;
	v4 =	vadd.s32 v1, v4;
	_ =	sdelay $0x1  }
0x5f: {  	v3 =	vadd.s32 v1, v3;
	_ =	sdelay $0x2  }
0x60: {  	[tilespmem:s25], [sflag:$0x2] =	stream.indirect_vreg.gather [hbm4b:s1+s3], $0x80, v4, vm0, $0xb8;
	[tilespmem:$0xC280] =	vst v63  }
0x61: {  	_ = 	snop  }
0x62: {  	[tilespmem:s26], [sflag:$0x2] =	stream.indirect_vreg.gather [hbm4b:s1+s3], $0x80, v3, vm0, $0xb8;
	[tilespmem:$0xC280] =	vst v63  }
0x63: {  	v3 =	vld [tilespmem:$0xB0];
	_ =	sdelay $0x4  }
0x64: {  	v4 =	vshll.u32 v3, $0x1  }
0x65: {  	v3 =	vand.u32 $0x7, v3;
	v4 =	vand.u32 $0xFFFFFFF0, v4  }
0x66: {  	v3 =	vor.u32 v3, v4  }
0x67: {  	v4 =	vperm.xlane v3, v0;
	_ =	sdelay $0x1  }
0x68: {  	v3 =	vperm.xlane v3, v2;
	v4 =	vadd.s32 v1, v4;
	_ =	sdelay $0x1  }
0x69: {  	v3 =	vadd.s32 v1, v3;
	_ =	sdelay $0x2  }
0x6a: {  	[tilespmem:s28], [sflag:$0x2] =	stream.indirect_vreg.gather [hbm4b:s1+s3], $0x80, v4, vm0, $0xb8;
	[tilespmem:$0xC280] =	vst v63  }
0x6b: {  	_ = 	snop  }
0x6c: {  	[tilespmem:s29], [sflag:$0x2] =	stream.indirect_vreg.gather [hbm4b:s1+s3], $0x80, v3, vm0, $0xb8;
	[tilespmem:$0xC280] =	vst v63  }
0x6d: {  	_ = 	snop  }
0x6e: {  	[tilespmem:s30], [sflag:$0x3] =	stream.linear.gather [hbm4b:s6+s3], $0x40, $0x38;
	[tilespmem:$0xC280] =	vst v63  }
0x6f: {  	_ =	swait.ge [sflag:s11], $0x40  }
0x70: {  	[sflag:s11] =	ssyncset.done $0x0  }
0x71: {  	[sflag:s11] =	ssyncadd.s32 $0xFFFFFFC0  }
0x72: {  	[tilespmem:s31], [sflag:$0x3] =	stream.linear.gather [hbm4b:s7+s3], $0x40, $0x38;
	[tilespmem:$0xC280] =	vst v63  }
0x73: {  	_ =	swait.ge [sflag:s11], $0x40  }
0x74: {  	[sflag:s11] =	ssyncset.done $0x0  }
0x75: {  	[sflag:s11] =	ssyncadd.s32 $0xFFFFFFC0  }
0x76: {  	v3 =	vld [tilespmem:$0xC100]  }
0x77: {  	v4 =	vld [tilespmem:$0xC180]  }
0x78: {  	v5 =	vld [tilespmem:$0xC110]  }
0x79: {  	v6 =	vld [tilespmem:$0xC190]  }
0x7a: {  	v7 =	vld [tilespmem:$0xC120]  }
0x7b: {  	v8 =	vld [tilespmem:$0xC1A0]  }
0x7c: {  	v9 =	vld [tilespmem:$0xC130]  }
0x7d: {  	v10 =	vld [tilespmem:$0xC1B0];
	_ =	sdelay $0x1  }
0x7e: {  	v3 =	vsub.f32 v3, v4  }
0x7f: {  	v4 =	vsub.f32 v5, v6  }
0x80: {  	[tilespmem:$0xC200] =	vst v3;
	v3 =	vsub.f32 v7, v8  }
0x81: {  	[tilespmem:$0xC210] =	vst v4;
	v4 =	vsub.f32 v9, v10  }
0x82: {  	[tilespmem:$0xC220] =	vst v3  }
0x83: {  	[tilespmem:$0xC230] =	vst v4  }
0x84: {  	[hbm4b:s8+s3] =	stream.linear.scatter [tilespmem:s2], [sflag:$0x3], $0x40, $0x38;
	[tilespmem:$0xC280] =	vst v63  }
0x85: {  	_ =	swait.ge [sflag:s11], $0x40  }
0x86: {  	[sflag:s11] =	ssyncset.done $0x0  }
0x87: {  	[sflag:s11] =	ssyncadd.s32 $0xFFFFFFC0  }
0x88: {  	_ =	swait.ge [sflag:s0], $0x4000  }
0x89: {  	[sflag:s0] =	ssyncset.done $0x0  }
0x8a: {  	[sflag:s0] =	ssyncadd.s32 $0xFFFFC000  }
0x8b: {  	_ =	swait.ge [sflag:s12], $0x4000  }
0x8c: {  	s18 =	sand.u32 $0x3800, s3;
	s16 =	sand.u32 $0x380, s3;
	[sflag:s12] =	ssyncset.done $0x0  }
0x8d: {  	s15 =	sor.u32 s16, s18;
	[sflag:s12] =	ssyncadd.s32 $0xFFFFC000  }
0x8e: {  	v3 =	vld [tilespmem:s15+$0x4570]  }
0x8f: {  	v4 =	vld [tilespmem:s15+$0x570]  }
0x90: {  	v5 =	vld [tilespmem:s15+$0x4100]  }
0x91: {  	v6 =	vld [tilespmem:s15+$0x100]  }
0x92: {  	v7 =	vld [tilespmem:s15+$0x4110]  }
0x93: {  	v8 =	vld [tilespmem:s15+$0x110]  }
0x94: {  	v9 =	vld [tilespmem:s15+$0x4120]  }
0x95: {  	v10 =	vld [tilespmem:s15+$0x4130];
	v3 =	vsub.f32 v3, v4  }
0x96: {  	v11 =	vld [tilespmem:s15+$0x4140];
	v5 =	vsub.f32 v5, v6  }
0x97: {  	v4 =	vld [tilespmem:s15+$0x120];
	v3 =	vadd.f32 v3, v3  }
0x98: {  	v6 =	vld [tilespmem:s15+$0x130];
	v5 =	vadd.f32 v5, v5  }
0x99: {  	[tilespmem:s15+$0x8570] =	vst v3;
	v3 =	vsub.f32 v7, v8;
	v7 =	vld [tilespmem:s15+$0x140]  }
0x9a: {  	[tilespmem:s15+$0x8100] =	vst v5;
	v5 =	vld [tilespmem:s15+$0x4150]  }
0x9b: {  	v8 =	vld [tilespmem:s15+$0x150]  }
0x9c: {  	v4 =	vsub.f32 v9, v4;
	v3 =	vadd.f32 v3, v3  }
0x9d: {  	v9 =	vld [tilespmem:s15+$0x160]  }
0x9e: {  	v6 =	vsub.f32 v10, v6;
	[tilespmem:s15+$0x8110] =	vst v3;
	v3 =	vadd.f32 v4, v4;
	v4 =	vld [tilespmem:s15+$0x4160]  }
0x9f: {  	v10 =	vld [tilespmem:s15+$0x170];
	v7 =	vsub.f32 v11, v7  }
0xa0: {  	v5 =	vsub.f32 v5, v8;
	v8 =	vld [tilespmem:s15+$0x500];
	[tilespmem:s15+$0x8120] =	vst v3;
	v3 =	vadd.f32 v6, v6  }
0xa1: {  	v6 =	vld [tilespmem:s15+$0x4170]  }
0xa2: {  	[tilespmem:s15+$0x8130] =	vst v3;
	v3 =	vadd.f32 v7, v7;
	v7 =	vld [tilespmem:s15+$0x4500]  }
0xa3: {  	v4 =	vsub.f32 v4, v9;
	v9 =	vld [tilespmem:s15+$0x510]  }
0xa4: {  	[tilespmem:s15+$0x8140] =	vst v3;
	v3 =	vadd.f32 v5, v5;
	v5 =	vld [tilespmem:s15+$0x4510]  }
0xa5: {  	v11 =	vld [tilespmem:s15+$0x4520]  }
0xa6: {  	[tilespmem:s15+$0x8150] =	vst v3;
	v3 =	vadd.f32 v4, v4;
	v4 =	vsub.f32 v6, v10;
	v10 =	vld [tilespmem:s15+$0x520]  }
0xa7: {  	v12 =	vld [tilespmem:s15+$0x4530]  }
0xa8: {  	[tilespmem:s15+$0x8160] =	vst v3;
	v3 =	vadd.f32 v4, v4;
	v4 =	vsub.f32 v7, v8;
	v8 =	vld [tilespmem:s15+$0x530]  }
0xa9: {  	v6 =	vld [tilespmem:s15+$0x540];
	v5 =	vsub.f32 v5, v9  }
0xaa: {  	[tilespmem:s15+$0x8170] =	vst v3;
	v4 =	vadd.f32 v4, v4;
	v3 =	vld [tilespmem:s15+$0x4540]  }
0xab: {  	v7 =	vadd.f32 v5, v5;
	v5 =	vld [tilespmem:s15+$0x550];
	v9 =	vsub.f32 v11, v10  }
0xac: {  	s19 =	simm.s32 $0x100;
	s17 =	simm.s32 $0x80;
	[tilespmem:s15+$0x8500] =	vst v4;
	v4 =	vld [tilespmem:s15+$0x4550]  }
0xad: {  	s16 =	sand.u32 $0x3800, s19;
	s18 =	sand.u32 $0x380, s17;
	[tilespmem:s15+$0x8510] =	vst v7;
	v7 =	vld [tilespmem:s15+$0x4560];
	v9 =	vadd.f32 v9, v9;
	v10 =	vsub.f32 v12, v8  }
0xae: {  	s16 =	sor.u32 s18, s16;
	s18 =	simm.s32 $0x200;
	v8 =	vld [tilespmem:s15+$0x560]  }
.LBB2_2:
0xaf: {  	p0 =	sne.s32 s18, $0x3F00;
	v11 =	vld [tilespmem:s16+$0x4570];
	[tilespmem:s15+$0x8520] =	vst v9;
	v9 =	vadd.f32 v10, v10;
	v3 =	vsub.f32 v3, v6  }
0xb0: {  	v6 =	vld [tilespmem:s16+$0x570]  }
0xb1: {  	v10 =	vld [tilespmem:s16+$0x4100];
	[tilespmem:s15+$0x8530] =	vst v9;
	v3 =	vadd.f32 v3, v3;
	v4 =	vsub.f32 v4, v5  }
0xb2: {  	v5 =	vld [tilespmem:s16+$0x100]  }
0xb3: {  	v9 =	vld [tilespmem:s16+$0x4110];
	[tilespmem:s15+$0x8540] =	vst v3;
	v3 =	vadd.f32 v4, v4;
	v4 =	vsub.f32 v7, v8  }
0xb4: {  	v7 =	vld [tilespmem:s16+$0x110]  }
0xb5: {  	v8 =	vld [tilespmem:s16+$0x4120];
	v6 =	vsub.f32 v11, v6;
	[tilespmem:s15+$0x8550] =	vst v3;
	v3 =	vadd.f32 v4, v4  }
0xb6: {  	v4 =	vld [tilespmem:s16+$0x120]  }
0xb7: {  	v5 =	vsub.f32 v10, v5;
	v10 =	vld [tilespmem:s16+$0x4130];
	v6 =	vadd.f32 v6, v6;
	[tilespmem:s15+$0x8560] =	vst v3;
	s15 =	smov.u32 s16  }
0xb8: {  	v3 =	vld [tilespmem:s15+$0x130]  }
0xb9: {  	v5 =	vadd.f32 v5, v5;
	v7 =	vsub.f32 v9, v7;
	v9 =	vld [tilespmem:s15+$0x4140];
	[tilespmem:s15+$0x8570] =	vst v6  }
0xba: {  	v6 =	vld [tilespmem:s15+$0x140]  }
0xbb: {  	[tilespmem:s15+$0x8100] =	vst v5;
	v5 =	vadd.f32 v7, v7;
	v4 =	vsub.f32 v8, v4;
	v7 =	vld [tilespmem:s15+$0x4150]  }
0xbc: {  	v8 =	vld [tilespmem:s15+$0x150]  }
0xbd: {  	[tilespmem:s15+$0x8110] =	vst v5;
	v4 =	vadd.f32 v4, v4;
	v3 =	vsub.f32 v10, v3;
	v5 =	vld [tilespmem:s15+$0x4160]  }
0xbe: {  	v10 =	vld [tilespmem:s15+$0x160]  }
0xbf: {  	[tilespmem:s15+$0x8120] =	vst v4;
	v3 =	vadd.f32 v3, v3;
	v4 =	vsub.f32 v9, v6;
	v6 =	vld [tilespmem:s15+$0x4170]  }
0xc0: {  	v9 =	vld [tilespmem:s15+$0x170]  }
0xc1: {  	[tilespmem:s15+$0x8130] =	vst v3;
	v3 =	vadd.f32 v4, v4;
	v4 =	vsub.f32 v7, v8;
	v7 =	vld [tilespmem:s15+$0x4500]  }
0xc2: {  	v8 =	vld [tilespmem:s15+$0x500]  }
0xc3: {  	[tilespmem:s15+$0x8140] =	vst v3;
	v3 =	vadd.f32 v4, v4;
	v4 =	vsub.f32 v5, v10;
	v5 =	vld [tilespmem:s15+$0x4510]  }
0xc4: {  	v10 =	vld [tilespmem:s15+$0x510]  }
0xc5: {  	[tilespmem:s15+$0x8150] =	vst v3;
	v3 =	vadd.f32 v4, v4;
	v4 =	vsub.f32 v6, v9;
	v9 =	vld [tilespmem:s15+$0x4520]  }
0xc6: {  	v11 =	vld [tilespmem:s15+$0x520]  }
0xc7: {  	[tilespmem:s15+$0x8160] =	vst v3;
	v3 =	vadd.f32 v4, v4;
	v4 =	vsub.f32 v7, v8;
	v7 =	vld [tilespmem:s15+$0x4530]  }
0xc8: {  	v8 =	vld [tilespmem:s15+$0x530]  }
0xc9: {  	[tilespmem:s15+$0x8170] =	vst v3;
	v4 =	vadd.f32 v4, v4;
	v5 =	vsub.f32 v5, v10;
	v3 =	vld [tilespmem:s15+$0x4540]  }
.Ltmp0:
0xca: {  	v6 =	vld [tilespmem:s15+$0x540];
	(pc) =	sbr.rel @p0 .LBB2_2-.Ltmp0, $4  }
0xcb: {  	[tilespmem:s15+$0x8500] =	vst v4;
	v10 =	vadd.f32 v5, v5;
	v9 =	vsub.f32 v9, v11;
	v4 =	vld [tilespmem:s15+$0x4550]  }
0xcc: {  	s17 =	sadd.s32 $0x80, s17;
	v5 =	vld [tilespmem:s15+$0x550]  }
0xcd: {  	s19 =	sand.u32 $0x380, s17;
	s16 =	sand.u32 $0x3800, s18;
	[tilespmem:s15+$0x8510] =	vst v10;
	v9 =	vadd.f32 v9, v9;
	v10 =	vsub.f32 v7, v8;
	v7 =	vld [tilespmem:s15+$0x4560]  }
0xce: {  	s18 =	sadd.s32 $0x100, s18;
	s16 =	sor.u32 s19, s16;
	v8 =	vld [tilespmem:s15+$0x560]  }
0xcf: {  	v11 =	vld [tilespmem:s16+$0x4570];
	[tilespmem:s15+$0x8520] =	vst v9;
	v32 =	vadd.f32 v10, v10;
	v3 =	vsub.f32 v3, v6  }
0xd0: {  	v33 =	vld [tilespmem:s16+$0x570]  }
0xd1: {  	v34 =	vld [tilespmem:s16+$0x4100];
	[tilespmem:s15+$0x8530] =	vst v32;
	v3 =	vadd.f32 v3, v3;
	v4 =	vsub.f32 v4, v5  }
0xd2: {  	v9 =	vld [tilespmem:s16+$0x100]  }
0xd3: {  	v35 =	vld [tilespmem:s16+$0x4110];
	[tilespmem:s15+$0x8540] =	vst v3;
	v3 =	vadd.f32 v4, v4;
	v7 =	vsub.f32 v7, v8  }
0xd4: {  	v36 =	vld [tilespmem:s16+$0x110]  }
0xd5: {  	v37 =	vld [tilespmem:s16+$0x4120];
	[tilespmem:s15+$0x8550] =	vst v3;
	v3 =	vadd.f32 v7, v7  }
0xd6: {  	v38 =	vld [tilespmem:s16+$0x120]  }
0xd7: {  	v39 =	vld [tilespmem:s16+$0x4130];
	[tilespmem:s15+$0x8560] =	vst v3  }
0xd8: {  	v3 =	vsub.f32 v34, v9;
	v41 =	vld [tilespmem:s16+$0x130]  }
0xd9: {  	v42 =	vld [tilespmem:s16+$0x4140]  }
0xda: {  	v43 =	vld [tilespmem:s16+$0x140];
	v3 =	vadd.f32 v3, v3;
	v4 =	vsub.f32 v35, v36  }
0xdb: {  	v44 =	vld [tilespmem:s16+$0x4150]  }
0xdc: {  	v46 =	vld [tilespmem:s16+$0x150];
	[tilespmem:s16+$0x8100] =	vst v3;
	v3 =	vadd.f32 v4, v4;
	v45 =	vsub.f32 v37, v38  }
0xdd: {  	v47 =	vld [tilespmem:s16+$0x4160]  }
0xde: {  	v49 =	vld [tilespmem:s16+$0x160];
	[tilespmem:s16+$0x8110] =	vst v3;
	v3 =	vadd.f32 v45, v45;
	v48 =	vsub.f32 v39, v41  }
0xdf: {  	v50 =	vld [tilespmem:s16+$0x4170]  }
0xe0: {  	v51 =	vld [tilespmem:s16+$0x170];
	v5 =	vsub.f32 v42, v43;
	[tilespmem:s16+$0x8120] =	vst v3;
	v3 =	vadd.f32 v48, v48  }
0xe1: {  	v52 =	vld [tilespmem:s16+$0x4500]  }
0xe2: {  	v53 =	vld [tilespmem:s16+$0x500];
	v4 =	vsub.f32 v44, v46;
	[tilespmem:s16+$0x8130] =	vst v3;
	v3 =	vadd.f32 v5, v5  }
0xe3: {  	v54 =	vld [tilespmem:s16+$0x4510]  }
0xe4: {  	v55 =	vld [tilespmem:s16+$0x510];
	v6 =	vsub.f32 v47, v49;
	[tilespmem:s16+$0x8140] =	vst v3;
	v3 =	vadd.f32 v4, v4  }
0xe5: {  	v56 =	vld [tilespmem:s16+$0x4520]  }
0xe6: {  	v57 =	vld [tilespmem:s16+$0x520];
	v8 =	vsub.f32 v50, v51;
	[tilespmem:s16+$0x8150] =	vst v3;
	v3 =	vadd.f32 v6, v6  }
0xe7: {  	v58 =	vld [tilespmem:s16+$0x4530]  }
0xe8: {  	v59 =	vld [tilespmem:s16+$0x530];
	v5 =	vsub.f32 v52, v53;
	[tilespmem:s16+$0x8160] =	vst v3;
	v3 =	vadd.f32 v8, v8  }
0xe9: {  	v60 =	vld [tilespmem:s16+$0x4540]  }
0xea: {  	v61 =	vld [tilespmem:s16+$0x540];
	v4 =	vsub.f32 v54, v55;
	[tilespmem:s16+$0x8170] =	vst v3;
	v3 =	vadd.f32 v5, v5  }
0xeb: {  	v62 =	vld [tilespmem:s16+$0x4550]  }
0xec: {  	v63 =	vld [tilespmem:s16+$0x550];
	[tilespmem:s16+$0x8500] =	vst v3;
	v3 =	vadd.f32 v4, v4  }
0xed: {  	v12 =	vld [tilespmem:s16+$0x560]  }
0xee: {  	v10 =	vsub.f32 v11, v33;
	[tilespmem:s16+$0x8510] =	vst v3;
	v3 =	vld [tilespmem:s16+$0x4560]  }
0xef: {  	v7 =	vsub.f32 v58, v59  }
0xf0: {  	v40 =	vadd.f32 v10, v10;
	v6 =	vsub.f32 v56, v57  }
0xf1: {  	v7 =	vadd.f32 v7, v7;
	v5 =	vsub.f32 v60, v61  }
0xf2: {  	[tilespmem:s16+$0x8570] =	vst v40;
	v6 =	vadd.f32 v6, v6;
	v4 =	vsub.f32 v62, v63  }
0xf3: {  	[tilespmem:s16+$0x8530] =	vst v7;
	v5 =	vadd.f32 v5, v5;
	v3 =	vsub.f32 v3, v12  }
0xf4: {  	[tilespmem:s16+$0x8520] =	vst v6;
	v4 =	vadd.f32 v4, v4  }
0xf5: {  	s14 =	sadd.s32 $0x1, s14;
	[tilespmem:s16+$0x8540] =	vst v5;
	v3 =	vadd.f32 v3, v3  }
0xf6: {  	p0 =	sne.s32 s14, s10;
	[tilespmem:s16+$0x8550] =	vst v4  }
.Ltmp1:
0xf7: {  	[tilespmem:s16+$0x8560] =	vst v3;
	(pc) =	sbr.rel @p0 .LBB2_1-.Ltmp1, $4  }
0xf8: {  	[hbm4b:s9+s3] =	stream.linear.scatter [tilespmem:s13], [sflag:$0x3], $0x4000, $0x38;
	[tilespmem:$0xC280] =	vst v63  }
0xf9: {  	_ =	swait.ge [sflag:s11], $0x4000  }
0xfa: {  	[sflag:s11] =	ssyncset.done $0x0  }
0xfb: {  	[sflag:s11] =	ssyncadd.s32 $0xFFFFC000  }
0xfc: {  	_ =	sfence.sel $0x180000  }
0xfd: {  	[bflag:$0x0] =	sbarrier.arrive $0xFFFF  }
0xfe: {  	_ =	strace $0x90000047  }
0xff: {  	s0 =	stileid.u32;
	[bflag:$0x2] =	sbarrier.arrive $0xFFFF  }
0x100: {  	p0 =	sne.s32 s0, $0x0;
	s0 =	rddreg [dreg:$0x4]  }
0x101: {  	s0 =	sadd.s32 @!p0 $0x100000, s0  }
0x102: {  	[sflag:s0] =	ssyncadd.tile.s32 @!p0 $0x1;
	_ =	shalt  }
.Lfunc_end2:
_tile_overlayer_lowered:
.L_overlay_start_2:
0x103: {  	(tag) =	ssettag $0x2  }
0x104: {  	s0 =	rddreg [dreg:$0x0];
	s2 =	stileid.u32  }
0x105: {  	s1 =	rddreg [dreg:$0x1];
	p0 =	sne.s32 s2, $0x0  }
0x106: {  	s3 =	rddreg [dreg:$0x2];
	[bflag:$0x3] =	sbarrier.arrive $0xFFFF;
	s2 =	simm.s32 @!p0 $0x1C03  }
0x107: {  	[timem:s3], [sflag:s2] =	dma.local @!p0 [hbm:s0], s1  }
0x108: {  	s0 =	simm.s32 @!p0 $0x3  }
0x109: {  	_ =	swait.ge @!p0 [sflag:s0], s1  }
0x10a: {  	s1 =	ssub.s32 @!p0 $0x0, s1;
	[sflag:s0] =	ssyncset.done @!p0 $0x0  }
0x10b: {  	[sflag:s0] =	ssyncadd.s32 @!p0 s1  }
0x10c: {  	[bflag:$0x3] =	sbarrier.arrive $0xFFFF  }
0x10d: {  	_ =	shalt  }

</sc_bundles>
